<compile_context>
chip_gen: v7x
topology: tpu7x:2x2x1
jax: 0.10.2.dev20260603
libtpu: 0.0.44.dev20260713+nightly
codegen_flags: <defaults>
</compile_context>

<pallas_src>
import functools

import jax
import jax.numpy as jnp
from jax import lax
from jax.experimental import pallas as pl
from jax.experimental.pallas import tpu as pltpu
from jax.experimental.pallas import tpu_sc as plsc

B = 2
N = 10000
E = 160000
L = 64
NEWS_DIM = 128
CNN_C = 64
NEWS_P = 32
D1 = 128
D2 = 128
G_HID = 256
NSUB = 16
EPS = E // NSUB
CH = 80
NCHUNK = EPS // CH
RPS = 624
TAIL = N - NSUB * RPS
TOFF = NSUB * RPS


def _seg_sum(table, src_b, dst_loc, d):
    zeros = jnp.zeros((N, d), jnp.float32)
    mesh = plsc.VectorSubcoreMesh(core_axis_name="c", subcore_axis_name="s")

    @functools.partial(
        pl.kernel,
        mesh=mesh,
        out_type=jax.ShapeDtypeStruct((B * N, d), jnp.float32),
        scratch_types=[
            pltpu.VMEM((EPS,), jnp.int32),
            pltpu.VMEM((EPS,), jnp.int32),
            pltpu.VMEM((CH,), jnp.int32),
            pltpu.VMEM((CH, d), jnp.float32),
            pltpu.VMEM((CH, d), jnp.float32),
            pltpu.VMEM_SHARED((N, d), jnp.float32),
            pltpu.SemaphoreType.DMA,
        ],
    )
    def k(table_h, srcb_h, dstl_h, zeros_h, out_h,
          src_all, dst_all, dst_v, rows0, rows1, acc, sem):
        c = lax.axis_index("c")
        s = lax.axis_index("s")
        pltpu.sync_copy(zeros_h.at[pl.ds(s * RPS, RPS)], acc.at[pl.ds(s * RPS, RPS)])
        pltpu.sync_copy(srcb_h.at[pl.ds(c * E + s * EPS, EPS)], src_all)
        pltpu.sync_copy(dstl_h.at[pl.ds(s * EPS, EPS)], dst_all)

        @pl.when(s == NSUB - 1)
        def _():
            pltpu.sync_copy(zeros_h.at[pl.ds(TOFF, TAIL)], acc.at[pl.ds(TOFF, TAIL)])

        plsc.subcore_barrier()

        def issue(ci, buf):
            pltpu.async_copy(table_h.at[src_all.at[pl.ds(ci * CH, CH)]], buf, sem)

        def wait(buf):
            pltpu.make_async_copy(table_h.at[src_all.at[pl.ds(0, CH)]], buf, sem).wait()

        def scatter(ci, buf):
            for j in range(CH // 16):
                dst_v[pl.ds(j * 16, 16)] = dst_all[pl.ds(ci * CH + j * 16, 16)]
            pltpu.sync_copy(buf, acc.at[dst_v], add=True)

        issue(0, rows0)

        def body2(p, carry):
            issue(2 * p + 1, rows1)
            wait(rows0)
            scatter(2 * p, rows0)
            issue(2 * p + 2, rows0)
            wait(rows1)
            scatter(2 * p + 1, rows1)
            return carry

        lax.fori_loop(0, (NCHUNK - 1) // 2, body2, 0)
        wait(rows0)
        scatter(NCHUNK - 1, rows0)
        plsc.subcore_barrier()
        pltpu.sync_copy(acc.at[pl.ds(s * RPS, RPS)],
                        out_h.at[pl.ds(c * N + s * RPS, RPS)])

        @pl.when(s == NSUB - 1)
        def _():
            pltpu.sync_copy(acc.at[pl.ds(TOFF, TAIL)],
                            out_h.at[pl.ds(c * N + TOFF, TAIL)])

    return k(table, src_b, dst_loc, zeros)


DDEG = 16


def _deg_count(dst_loc):
    zeros = jnp.zeros((N, DDEG), jnp.float32)
    ones_blk = jnp.ones((CH, DDEG), jnp.float32)
    mesh = plsc.VectorSubcoreMesh(core_axis_name="c", subcore_axis_name="s")

    @functools.partial(
        pl.kernel,
        mesh=mesh,
        out_type=jax.ShapeDtypeStruct((B * N, DDEG), jnp.float32),
        scratch_types=[
            pltpu.VMEM((EPS,), jnp.int32),
            pltpu.VMEM((CH,), jnp.int32),
            pltpu.VMEM((CH, DDEG), jnp.float32),
            pltpu.VMEM_SHARED((N, DDEG), jnp.float32),
        ],
    )
    def k(dstl_h, zeros_h, ones_h, out_h, dst_all, dst_v, ones_v, acc):
        c = lax.axis_index("c")
        s = lax.axis_index("s")
        pltpu.sync_copy(zeros_h.at[pl.ds(s * RPS, RPS)], acc.at[pl.ds(s * RPS, RPS)])
        pltpu.sync_copy(dstl_h.at[pl.ds(s * EPS, EPS)], dst_all)
        pltpu.sync_copy(ones_h, ones_v)

        @pl.when(s == NSUB - 1)
        def _():
            pltpu.sync_copy(zeros_h.at[pl.ds(TOFF, TAIL)], acc.at[pl.ds(TOFF, TAIL)])

        plsc.subcore_barrier()

        def body(i, carry):
            for j in range(CH // 16):
                dst_v[pl.ds(j * 16, 16)] = dst_all[pl.ds(i * CH + j * 16, 16)]
            pltpu.sync_copy(ones_v, acc.at[dst_v], add=True)
            return carry

        lax.fori_loop(0, NCHUNK, body, 0)
        plsc.subcore_barrier()
        pltpu.sync_copy(acc.at[pl.ds(s * RPS, RPS)],
                        out_h.at[pl.ds(c * N + s * RPS, RPS)])

        @pl.when(s == NSUB - 1)
        def _():
            pltpu.sync_copy(acc.at[pl.ds(TOFF, TAIL)],
                            out_h.at[pl.ds(c * N + TOFF, TAIL)])

    return k(dst_loc, zeros, ones_blk)


R1 = 400
R2 = 2000


def _fuse_body(x_ref, news_ref, deg_ref, w0_ref, w1_ref, w2_ref, cb_ref,
               npw1_ref, npb1_ref, npw2_ref, npb2_ref, xaug_ref, dinv_ref):
    xb = x_ref[...]
    z = jnp.zeros((R1, 1), jnp.float32)
    xm1 = jnp.concatenate([z, xb[:, :-1]], axis=1)
    xp1 = jnp.concatenate([xb[:, 1:], z], axis=1)
    h = (xm1[:, :, None] * w0_ref[...][0][None, None, :]
         + xb[:, :, None] * w1_ref[...][0][None, None, :]
         + xp1[:, :, None] * w2_ref[...][0][None, None, :]
         + cb_ref[...][0][None, None, :])
    cnn = jnp.mean(jax.nn.relu(h), axis=1)
    nh = jax.nn.relu(jnp.dot(news_ref[...], npw1_ref[...],
                             preferred_element_type=jnp.float32, precision=lax.Precision.HIGHEST) + npb1_ref[...])
    nf = jnp.dot(nh, npw2_ref[...], preferred_element_type=jnp.float32, precision=lax.Precision.HIGHEST) + npb2_ref[...]
    dinv = lax.rsqrt(deg_ref[...])
    col = lax.broadcasted_iota(jnp.int32, (R1, 16), 1)
    xaug_ref[:, 0:16] = jnp.where(col == 0, dinv, 0.0)
    xaug_ref[:, 16:80] = cnn * dinv
    xaug_ref[:, 80:112] = nf * dinv
    xaug_ref[:, 112:128] = jnp.zeros((R1, 16), jnp.float32)
    dinv_ref[...] = dinv


def _layer_body(agg_ref, xaug_ref, dinv_ref, what_ref, gw2_ref, gb2_ref, out_ref):
    dinv = dinv_ref[...]
    zz = (agg_ref[...] + xaug_ref[...]) * dinv
    h1 = jax.nn.relu(jnp.dot(zz, what_ref[...], preferred_element_type=jnp.float32, precision=lax.Precision.HIGHEST))
    m = jnp.dot(h1, gw2_ref[...], preferred_element_type=jnp.float32, precision=lax.Precision.HIGHEST) + gb2_ref[...]
    out_ref[...] = m * dinv


def _head_body(agg2_ref, mp_ref, dinv_ref, mw1_ref, mb1_ref, mw2_ref, mb2_ref, out_ref):
    o2 = (agg2_ref[...] + mp_ref[...]) * dinv_ref[...]
    h = jax.nn.relu(jnp.dot(o2, mw1_ref[...], preferred_element_type=jnp.float32, precision=lax.Precision.HIGHEST)
                    + mb1_ref[...])
    out_ref[...] = jnp.dot(h, mw2_ref[...], preferred_element_type=jnp.float32, precision=lax.Precision.HIGHEST) + mb2_ref[...]


def _full(shape):
    return pl.BlockSpec(shape, lambda i: (0, 0))


def kernel(price_data_x, edge_index, news_features, conv_w, conv_b,
           npw1, npb1, npw2, npb2, gw1, gb1, gw2, gb2, mw1, mb1, mw2, mb2):
    x = price_data_x.reshape(B * N, L)
    news = news_features.reshape(B * N, NEWS_DIM)
    src = edge_index[0]
    dst = edge_index[1]
    src_b = jnp.concatenate([src, src + N])

    deg_out = _deg_count(dst)
    deg = deg_out[:, :1] + 1.0

    grid1 = (B * N) // R1
    w0 = conv_w[:, 0, 0].reshape(1, CNN_C)
    w1 = conv_w[:, 0, 1].reshape(1, CNN_C)
    w2 = conv_w[:, 0, 2].reshape(1, CNN_C)
    cb = conv_b.reshape(1, CNN_C)
    xaug, dinv = pl.pallas_call(
        _fuse_body,
        grid=(grid1,),
        in_specs=[
            pl.BlockSpec((R1, L), lambda i: (i, 0)),
            pl.BlockSpec((R1, NEWS_DIM), lambda i: (i, 0)),
            pl.BlockSpec((R1, 1), lambda i: (i, 0)),
            _full((1, CNN_C)), _full((1, CNN_C)), _full((1, CNN_C)), _full((1, CNN_C)),
            _full((NEWS_DIM, 2 * NEWS_P)), _full((1, 2 * NEWS_P)),
            _full((2 * NEWS_P, NEWS_P)), _full((1, NEWS_P)),
        ],
        out_specs=[
            pl.BlockSpec((R1, D1), lambda i: (i, 0)),
            pl.BlockSpec((R1, 1), lambda i: (i, 0)),
        ],
        out_shape=[
            jax.ShapeDtypeStruct((B * N, D1), jnp.float32),
            jax.ShapeDtypeStruct((B * N, 1), jnp.float32),
        ],
    )(x, news, deg, w0, w1, w2, cb,
      npw1, npb1.reshape(1, -1), npw2, npb2.reshape(1, -1))

    agg1 = _seg_sum(xaug, src_b, dst, D1)

    w_hat = jnp.zeros((D1, G_HID), jnp.float32).at[0, :].set(gb1).at[16:112, :].set(gw1)
    grid2 = (B * N) // R2
    mp = pl.pallas_call(
        _layer_body,
        grid=(grid2,),
        in_specs=[
            pl.BlockSpec((R2, D1), lambda i: (i, 0)),
            pl.BlockSpec((R2, D1), lambda i: (i, 0)),
            pl.BlockSpec((R2, 1), lambda i: (i, 0)),
            _full((D1, G_HID)), _full((G_HID, D2)), _full((1, D2)),
        ],
        out_specs=pl.BlockSpec((R2, D2), lambda i: (i, 0)),
        out_shape=jax.ShapeDtypeStruct((B * N, D2), jnp.float32),
    )(agg1, xaug, dinv, w_hat, gw2, gb2.reshape(1, -1))

    agg2 = _seg_sum(mp, src_b, dst, D2)

    mw2_pad = jnp.zeros((D2, 128), jnp.float32).at[:, :2].set(mw2)
    mb2_pad = jnp.zeros((1, 128), jnp.float32).at[0, :2].set(mb2)
    out = pl.pallas_call(
        _head_body,
        grid=(grid2,),
        in_specs=[
            pl.BlockSpec((R2, D2), lambda i: (i, 0)),
            pl.BlockSpec((R2, D2), lambda i: (i, 0)),
            pl.BlockSpec((R2, 1), lambda i: (i, 0)),
            _full((D2, 128)), _full((1, 128)), _full((D2, 128)), _full((1, 128)),
        ],
        out_specs=pl.BlockSpec((R2, 128), lambda i: (i, 0)),
        out_shape=jax.ShapeDtypeStruct((B * N, 128), jnp.float32),
    )(agg2, mp, dinv, mw1, mb1.reshape(1, -1), mw2_pad, mb2_pad)

    return out[:, :2].reshape(B, N, 2)

# --- scband reference (transcript-rebuilt; emitter-appended) ---
"""Pipeline reference for scband-cnn-gnn-17231408792352 (READ-ONLY COPY).

The authoritative reference and input builder live on the scoring server;
editing this copy changes nothing except your own understanding.
"""

import jax, jax.numpy as jnp
import numpy as np

B = 2
NUM_NODES = 10000
E = 160000
L = 64
NEWS_DIM = 128
CNN_C = 64
NEWS_P = 32
GCN_IN = CNN_C + NEWS_P
G_HID = 256
G_OUT = 128
MLP_H = 128
NCLS = 2


def setup_inputs(seed: int = 0) -> dict:
    key = jax.random.key(seed)
    ks = jax.random.split(key, 20)
    s = 0.02
    inp = {}
    inp['price_data_x'] = jax.random.normal(ks[0], (B, NUM_NODES, L), dtype=jnp.float32)
    inp['edge_index'] = jax.random.randint(ks[1], (2, E), 0, NUM_NODES, dtype=jnp.int32)
    inp['news_features'] = jax.random.normal(ks[2], (B, NUM_NODES, NEWS_DIM), dtype=jnp.float32)
    # CNN params: Conv1d(1 -> CNN_C, kernel=3, same padding) + global mean pool
    inp['conv_w'] = jax.random.normal(ks[3], (CNN_C, 1, 3), dtype=jnp.float32) * s
    inp['conv_b'] = jnp.zeros((CNN_C,), jnp.float32)
    # news_processor: Linear(NEWS_DIM, 2*NEWS_P) -> ReLU -> Linear(2*NEWS_P, NEWS_P)
    inp['npw1'] = jax.random.normal(ks[4], (NEWS_DIM, NEWS_P * 2), dtype=jnp.float32) * s
    inp['npb1'] = jnp.zeros((NEWS_P * 2,), jnp.float32)
    inp['npw2'] = jax.random.normal(ks[5], (NEWS_P * 2, NEWS_P), dtype=jnp.float32) * s
    inp['npb2'] = jnp.zeros((NEWS_P,), jnp.float32)
    # GCN: two GCNConv layers
    inp['gw1'] = jax.random.normal(ks[6], (GCN_IN, G_HID), dtype=jnp.float32) * s
    inp['gb1'] = jnp.zeros((G_HID,), jnp.float32)
    inp['gw2'] = jax.random.normal(ks[7], (G_HID, G_OUT), dtype=jnp.float32) * s
    inp['gb2'] = jnp.zeros((G_OUT,), jnp.float32)
    # final MLP
    inp['mw1'] = jax.random.normal(ks[8], (G_OUT, MLP_H), dtype=jnp.float32) * s
    inp['mb1'] = jnp.zeros((MLP_H,), jnp.float32)
    inp['mw2'] = jax.random.normal(ks[9], (MLP_H, NCLS), dtype=jnp.float32) * s
    inp['mb2'] = jnp.zeros((NCLS,), jnp.float32)
    return inp


def _cnn(x, conv_w, conv_b):
    # x: [B, N, L] -> per-node 1D conv over time, ReLU, global mean pool -> [B, N, CNN_C]
    b, n, l = x.shape
    h = x.reshape(b * n, 1, l)
    h = jax.lax.conv_general_dilated(h, conv_w, window_strides=(1,), padding='SAME',
                                     dimension_numbers=('NCH', 'OIH', 'NCH'))
    h = jax.nn.relu(h + conv_b[None, :, None])
    h = jnp.mean(h, axis=-1)
    return h.reshape(b, n, CNN_C)


def _gcn_conv(x, src, dst, W, bias, n):
    # symmetric-normalized GCNConv (self-loops already included in src/dst)
    h = x @ W + bias
    deg = jnp.zeros((n,), jnp.float32).at[dst].add(1.0)
    dinv = 1.0 / jnp.sqrt(jnp.clip(deg, 1.0))
    norm = dinv[src] * dinv[dst]
    msg = h[src] * norm[:, None]
    return jnp.zeros((n, h.shape[1]), h.dtype).at[dst].add(msg)


def reference(price_data_x, edge_index, news_features, conv_w, conv_b,
              npw1, npb1, npw2, npb2, gw1, gb1, gw2, gb2, mw1, mb1, mw2, mb2):
    cnn_feat = _cnn(price_data_x, conv_w, conv_b)
    news = jax.nn.relu(news_features @ npw1 + npb1) @ npw2 + npb2  # dropout = identity (eval)
    fused = jnp.concatenate([cnn_feat, news], axis=-1)  # [B, N, GCN_IN]
    b, n, f = fused.shape
    flat = fused.reshape(b * n, f)
    # batch the edge_index with per-graph node offsets
    ei_batch = jnp.concatenate([edge_index + i * n for i in range(b)], axis=1)
    total_n = b * n
    loop = jnp.arange(total_n, dtype=ei_batch.dtype)
    src = jnp.concatenate([ei_batch[0], loop])
    dst = jnp.concatenate([ei_batch[1], loop])
    h = jax.nn.relu(_gcn_conv(flat, src, dst, gw1, gb1, total_n))
    h = _gcn_conv(h, src, dst, gw2, gb2, total_n)
    h = h.reshape(b, n, -1)
    out = jax.nn.relu(h @ mw1 + mb1) @ mw2 + mb2
    return out

if __name__ == "__main__":
    import jax
    _d = setup_inputs()
    print(jax.jit(kernel)(*tuple(_d.values())))

</pallas_src>

<mosaic_0001>
#map = affine_map<(d0, d1) -> (0)>
#map1 = affine_map<(d0, d1) -> (0, 0)>
module attributes {stable_mosaic.version = 14 : i64} {
  func.func @k(%arg0: i32, %arg1: i32, %arg2: memref<160000xi32, #tpu.memory_space<hbm>>, %arg3: memref<10000x16xf32, #tpu.memory_space<hbm>>, %arg4: memref<80x16xf32, #tpu.memory_space<hbm>>, %arg5: memref<20000x16xf32, #tpu.memory_space<hbm>>, %arg6: memref<10000xi32, #tpu.memory_space<vmem>>, %arg7: memref<80xi32, #tpu.memory_space<vmem>>, %arg8: memref<80x16xf32, #tpu.memory_space<vmem>>, %arg9: memref<10000x16xf32, #tpu.memory_space<vmem_shared>>) attributes {dimension_semantics = [#tpu.dimension_semantics<core_parallel>, #tpu.dimension_semantics<subcore_parallel>], iteration_bounds = array<i64: 2, 16>, scalar_prefetch = 0 : i64, scratch_operands = 4 : i64, tpu.core_type = #tpu.core_type<sc_vector_subcore>, window_params = [{transform_indices = #map}, {transform_indices = #map1}, {transform_indices = #map1}, {transform_indices = #map1}]} {
    %mul3A = arith.constant 624 : i32
    %mul3A_0 = arith.muli %arg1, %mul3A : i32
    %mul3A_1 = arith.constant 624 : i32
    %mul3A_2 = arith.muli %arg1, %mul3A_1 : i32
    "tpu.region"() ({
      %run_scoped3A = tpu.sem_alloc : memref<!tpu.dma_semaphore, #tpu.memory_space<semaphore_mem>>
      %dma_start3A = arith.constant 0 : i32
      %dma_start3A_24 = tpu.memref_slice %arg9[%mul3A_2, %dma_start3A] : memref<10000x16xf32, #tpu.memory_space<vmem_shared>> -> memref<624x16xf32, #tpu.memory_space<vmem_shared>>
      %dma_start3A_25 = arith.constant 0 : i32
      %dma_start3A_26 = tpu.memref_slice %arg3[%mul3A_0, %dma_start3A_25] : memref<10000x16xf32, #tpu.memory_space<hbm>> -> memref<624x16xf32, #tpu.memory_space<hbm>>
      tpu.enqueue_dma source(%dma_start3A_26 : memref<624x16xf32, #tpu.memory_space<hbm>>) target(%dma_start3A_24 : memref<624x16xf32, #tpu.memory_space<vmem_shared>>) target_semaphore(%run_scoped3A : memref<!tpu.dma_semaphore, #tpu.memory_space<semaphore_mem>>)
      %dma_wait3A = arith.constant 0 : i32
      %dma_wait3A_27 = tpu.memref_slice %arg9[%mul3A_2, %dma_wait3A] : memref<10000x16xf32, #tpu.memory_space<vmem_shared>> -> memref<624x16xf32, #tpu.memory_space<vmem_shared>>
      %dma_wait3A_28 = arith.constant 0 : i32
      %dma_wait3A_29 = tpu.memref_slice %arg3[%mul3A_0, %dma_wait3A_28] : memref<10000x16xf32, #tpu.memory_space<hbm>> -> memref<624x16xf32, #tpu.memory_space<hbm>>
      tpu.wait_dma2 semaphore(%run_scoped3A : memref<!tpu.dma_semaphore, #tpu.memory_space<semaphore_mem>>) src(%dma_wait3A_29 : memref<624x16xf32, #tpu.memory_space<hbm>>) dst(%dma_wait3A_27 : memref<624x16xf32, #tpu.memory_space<vmem_shared>>)
      tpu.yield
    }) : () -> ()
    %mul3A_3 = arith.constant 10000 : i32
    %mul3A_4 = arith.muli %arg1, %mul3A_3 : i32
    "tpu.region"() ({
      %run_scoped3A = tpu.sem_alloc : memref<!tpu.dma_semaphore, #tpu.memory_space<semaphore_mem>>
      %dma_start3A = tpu.memref_slice %arg2[%mul3A_4] : memref<160000xi32, #tpu.memory_space<hbm>> -> memref<10000xi32, #tpu.memory_space<hbm>>
      %dma_start3A_24 = tpu.memref_slice %arg2[%mul3A_4] : memref<160000xi32, #tpu.memory_space<hbm>> -> memref<10000xi32, #tpu.memory_space<hbm>>
      tpu.enqueue_dma source(%dma_start3A_24 : memref<10000xi32, #tpu.memory_space<hbm>>) target(%arg6 : memref<10000xi32, #tpu.memory_space<vmem>>) target_semaphore(%run_scoped3A : memref<!tpu.dma_semaphore, #tpu.memory_space<semaphore_mem>>)
      %dma_wait3A = tpu.memref_slice %arg2[%mul3A_4] : memref<160000xi32, #tpu.memory_space<hbm>> -> memref<10000xi32, #tpu.memory_space<hbm>>
      %dma_wait3A_25 = tpu.memref_slice %arg2[%mul3A_4] : memref<160000xi32, #tpu.memory_space<hbm>> -> memref<10000xi32, #tpu.memory_space<hbm>>
      tpu.wait_dma2 semaphore(%run_scoped3A : memref<!tpu.dma_semaphore, #tpu.memory_space<semaphore_mem>>) src(%dma_wait3A_25 : memref<10000xi32, #tpu.memory_space<hbm>>) dst(%arg6 : memref<10000xi32, #tpu.memory_space<vmem>>)
      tpu.yield
    }) : () -> ()
    "tpu.region"() ({
      %run_scoped3A = tpu.sem_alloc : memref<!tpu.dma_semaphore, #tpu.memory_space<semaphore_mem>>
      tpu.enqueue_dma source(%arg4 : memref<80x16xf32, #tpu.memory_space<hbm>>) target(%arg8 : memref<80x16xf32, #tpu.memory_space<vmem>>) target_semaphore(%run_scoped3A : memref<!tpu.dma_semaphore, #tpu.memory_space<semaphore_mem>>)
      tpu.wait_dma2 semaphore(%run_scoped3A : memref<!tpu.dma_semaphore, #tpu.memory_space<semaphore_mem>>) src(%arg4 : memref<80x16xf32, #tpu.memory_space<hbm>>) dst(%arg8 : memref<80x16xf32, #tpu.memory_space<vmem>>)
      tpu.yield
    }) : () -> ()
    %eq3A = arith.constant 15 : i32
    %eq3A_5 = arith.cmpi eq, %arg1, %eq3A : i32
    %convert_element_type3A = arith.extui %eq3A_5 : i1 to i32
    %cond3A = arith.constant 0 : i32
    %cond3A_6 = arith.cmpi ne, %convert_element_type3A, %cond3A : i32
    scf.if %cond3A_6 {
      "tpu.region"() ({
        %run_scoped3A = tpu.sem_alloc : memref<!tpu.dma_semaphore, #tpu.memory_space<semaphore_mem>>
        %dma_start3A = arith.constant 9984 : i32
        %dma_start3A_24 = arith.constant 0 : i32
        %dma_start3A_25 = tpu.memref_slice %arg9[%dma_start3A, %dma_start3A_24] : memref<10000x16xf32, #tpu.memory_space<vmem_shared>> -> memref<16x16xf32, #tpu.memory_space<vmem_shared>>
        %dma_start3A_26 = arith.constant 9984 : i32
        %dma_start3A_27 = arith.constant 0 : i32
        %dma_start3A_28 = tpu.memref_slice %arg3[%dma_start3A_26, %dma_start3A_27] : memref<10000x16xf32, #tpu.memory_space<hbm>> -> memref<16x16xf32, #tpu.memory_space<hbm>>
        tpu.enqueue_dma source(%dma_start3A_28 : memref<16x16xf32, #tpu.memory_space<hbm>>) target(%dma_start3A_25 : memref<16x16xf32, #tpu.memory_space<vmem_shared>>) target_semaphore(%run_scoped3A : memref<!tpu.dma_semaphore, #tpu.memory_space<semaphore_mem>>)
        %dma_wait3A = arith.constant 9984 : i32
        %dma_wait3A_29 = arith.constant 0 : i32
        %dma_wait3A_30 = tpu.memref_slice %arg9[%dma_wait3A, %dma_wait3A_29] : memref<10000x16xf32, #tpu.memory_space<vmem_shared>> -> memref<16x16xf32, #tpu.memory_space<vmem_shared>>
        %dma_wait3A_31 = arith.constant 9984 : i32
        %dma_wait3A_32 = arith.constant 0 : i32
        %dma_wait3A_33 = tpu.memref_slice %arg3[%dma_wait3A_31, %dma_wait3A_32] : memref<10000x16xf32, #tpu.memory_space<hbm>> -> memref<16x16xf32, #tpu.memory_space<hbm>>
        tpu.wait_dma2 semaphore(%run_scoped3A : memref<!tpu.dma_semaphore, #tpu.memory_space<semaphore_mem>>) src(%dma_wait3A_33 : memref<16x16xf32, #tpu.memory_space<hbm>>) dst(%dma_wait3A_30 : memref<16x16xf32, #tpu.memory_space<vmem_shared>>)
        tpu.yield
      }) : () -> ()
    } else {
    }
    %barrier3A = arith.constant 0 : index
    tpu.barrier barrier_id(%barrier3A)
    %scan3A = arith.constant 0 : i32
    %scan3A_7 = arith.constant 0 : i32
    %scan3A_8 = arith.constant 125 : i32
    %scan3A_9 = arith.addi %scan3A_7, %scan3A_8 : i32
    %scan3A_10 = arith.constant 1 : i32
    scf.for %scan3A_24 = %scan3A_7 to %scan3A_9 step %scan3A_10  : i32 {
      %mul3A_25 = arith.constant 80 : i32
      %mul3A_26 = arith.muli %scan3A_24, %mul3A_25 : i32
      %add3A_27 = arith.constant 0 : i32
      %add3A_28 = arith.addi %mul3A_26, %add3A_27 : i32
      %get3A = arith.index_cast %add3A_28 : i32 to index
      %get3A_29 = tpu.vector_load %arg6[%get3A] {strides = array<i32>} : memref<10000xi32, #tpu.memory_space<vmem>>, vector<16xi32>,
      %get3A_30 = vector.shape_cast %get3A_29 : vector<16xi32> to vector<16xi32>
      %swap3A = arith.constant 0 : index
      %swap3A_31 = tpu.vector_load %arg7[%swap3A] {strides = array<i32>} : memref<80xi32, #tpu.memory_space<vmem>>, vector<16xi32>,
      %swap3A_32 = vector.shape_cast %swap3A_31 : vector<16xi32> to vector<16xi32>
      %swap3A_33 = vector.shape_cast %get3A_30 : vector<16xi32> to vector<16xi32>
      tpu.vector_store %arg7[%swap3A], %swap3A_33 {strides = array<i32>} : memref<80xi32, #tpu.memory_space<vmem>>, vector<16xi32>,
      %mul3A_34 = arith.constant 80 : i32
      %mul3A_35 = arith.muli %scan3A_24, %mul3A_34 : i32
      %add3A_36 = arith.constant 16 : i32
      %add3A_37 = arith.addi %mul3A_35, %add3A_36 : i32
      %get3A_38 = arith.index_cast %add3A_37 : i32 to index
      %get3A_39 = tpu.vector_load %arg6[%get3A_38] {strides = array<i32>} : memref<10000xi32, #tpu.memory_space<vmem>>, vector<16xi32>,
      %get3A_40 = vector.shape_cast %get3A_39 : vector<16xi32> to vector<16xi32>
      %swap3A_41 = arith.constant 16 : index
      %swap3A_42 = tpu.vector_load %arg7[%swap3A_41] {strides = array<i32>} : memref<80xi32, #tpu.memory_space<vmem>>, vector<16xi32>,
      %swap3A_43 = vector.shape_cast %swap3A_42 : vector<16xi32> to vector<16xi32>
      %swap3A_44 = vector.shape_cast %get3A_40 : vector<16xi32> to vector<16xi32>
      tpu.vector_store %arg7[%swap3A_41], %swap3A_44 {strides = array<i32>} : memref<80xi32, #tpu.memory_space<vmem>>, vector<16xi32>,
      %mul3A_45 = arith.constant 80 : i32
      %mul3A_46 = arith.muli %scan3A_24, %mul3A_45 : i32
      %add3A_47 = arith.constant 32 : i32
      %add3A_48 = arith.addi %mul3A_46, %add3A_47 : i32
      %get3A_49 = arith.index_cast %add3A_48 : i32 to index
      %get3A_50 = tpu.vector_load %arg6[%get3A_49] {strides = array<i32>} : memref<10000xi32, #tpu.memory_space<vmem>>, vector<16xi32>,
      %get3A_51 = vector.shape_cast %get3A_50 : vector<16xi32> to vector<16xi32>
      %swap3A_52 = arith.constant 32 : index
      %swap3A_53 = tpu.vector_load %arg7[%swap3A_52] {strides = array<i32>} : memref<80xi32, #tpu.memory_space<vmem>>, vector<16xi32>,
      %swap3A_54 = vector.shape_cast %swap3A_53 : vector<16xi32> to vector<16xi32>
      %swap3A_55 = vector.shape_cast %get3A_51 : vector<16xi32> to vector<16xi32>
      tpu.vector_store %arg7[%swap3A_52], %swap3A_55 {strides = array<i32>} : memref<80xi32, #tpu.memory_space<vmem>>, vector<16xi32>,
      %mul3A_56 = arith.constant 80 : i32
      %mul3A_57 = arith.muli %scan3A_24, %mul3A_56 : i32
      %add3A_58 = arith.constant 48 : i32
      %add3A_59 = arith.addi %mul3A_57, %add3A_58 : i32
      %get3A_60 = arith.index_cast %add3A_59 : i32 to index
      %get3A_61 = tpu.vector_load %arg6[%get3A_60] {strides = array<i32>} : memref<10000xi32, #tpu.memory_space<vmem>>, vector<16xi32>,
      %get3A_62 = vector.shape_cast %get3A_61 : vector<16xi32> to vector<16xi32>
      %swap3A_63 = arith.constant 48 : index
      %swap3A_64 = tpu.vector_load %arg7[%swap3A_63] {strides = array<i32>} : memref<80xi32, #tpu.memory_space<vmem>>, vector<16xi32>,
      %swap3A_65 = vector.shape_cast %swap3A_64 : vector<16xi32> to vector<16xi32>
      %swap3A_66 = vector.shape_cast %get3A_62 : vector<16xi32> to vector<16xi32>
      tpu.vector_store %arg7[%swap3A_63], %swap3A_66 {strides = array<i32>} : memref<80xi32, #tpu.memory_space<vmem>>, vector<16xi32>,
      %mul3A_67 = arith.constant 80 : i32
      %mul3A_68 = arith.muli %scan3A_24, %mul3A_67 : i32
      %add3A_69 = arith.constant 64 : i32
      %add3A_70 = arith.addi %mul3A_68, %add3A_69 : i32
      %get3A_71 = arith.index_cast %add3A_70 : i32 to index
      %get3A_72 = tpu.vector_load %arg6[%get3A_71] {strides = array<i32>} : memref<10000xi32, #tpu.memory_space<vmem>>, vector<16xi32>,
      %get3A_73 = vector.shape_cast %get3A_72 : vector<16xi32> to vector<16xi32>
      %swap3A_74 = arith.constant 64 : index
      %swap3A_75 = tpu.vector_load %arg7[%swap3A_74] {strides = array<i32>} : memref<80xi32, #tpu.memory_space<vmem>>, vector<16xi32>,
      %swap3A_76 = vector.shape_cast %swap3A_75 : vector<16xi32> to vector<16xi32>
      %swap3A_77 = vector.shape_cast %get3A_73 : vector<16xi32> to vector<16xi32>
      tpu.vector_store %arg7[%swap3A_74], %swap3A_77 {strides = array<i32>} : memref<80xi32, #tpu.memory_space<vmem>>, vector<16xi32>,
      "tpu.region"() ({
        %run_scoped3A = tpu.sem_alloc : memref<!tpu.dma_semaphore, #tpu.memory_space<semaphore_mem>>
        %dma_start3A = arith.constant 0 : i32
        %dma_start3A_78 = arith.constant 0 : i32
        %dma_start3A_79 = tpu.memref_slice %arg9[%dma_start3A, %dma_start3A_78] : memref<10000x16xf32, #tpu.memory_space<vmem_shared>> -> memref<10000x16xf32, #tpu.memory_space<vmem_shared>>
        tpu.enqueue_indirect_dma source(%arg8 : memref<80x16xf32, #tpu.memory_space<vmem>>) target(%dma_start3A_79 : memref<10000x16xf32, #tpu.memory_space<vmem_shared>>) offsets(%arg7 : memref<80xi32, #tpu.memory_space<vmem>>) semaphore(%run_scoped3A : memref<!tpu.dma_semaphore, #tpu.memory_space<semaphore_mem>>) {add = true}
        %dma_wait3A = arith.constant 0 : i32
        %dma_wait3A_80 = arith.constant 0 : i32
        %dma_wait3A_81 = tpu.memref_slice %arg9[%dma_wait3A, %dma_wait3A_80] : memref<10000x16xf32, #tpu.memory_space<vmem_shared>> -> memref<10000x16xf32, #tpu.memory_space<vmem_shared>>
        tpu.wait_indirect_dma semaphore(%run_scoped3A : memref<!tpu.dma_semaphore, #tpu.memory_space<semaphore_mem>>) src(%arg8 : memref<80x16xf32, #tpu.memory_space<vmem>>) dst(%dma_wait3A_81 : memref<10000x16xf32, #tpu.memory_space<vmem_shared>>)
        tpu.yield
      }) : () -> ()
    }
    %scan3A_11 = arith.constant 125 : i32
    %barrier3A_12 = arith.constant 0 : index
    tpu.barrier barrier_id(%barrier3A_12)
    %mul3A_13 = arith.constant 624 : i32
    %mul3A_14 = arith.muli %arg1, %mul3A_13 : i32
    %mul3A_15 = arith.constant 10000 : i32
    %mul3A_16 = arith.muli %arg0, %mul3A_15 : i32
    %mul3A_17 = arith.constant 624 : i32
    %mul3A_18 = arith.muli %arg1, %mul3A_17 : i32
    %add3A = arith.addi %mul3A_16, %mul3A_18 : i32
    "tpu.region"() ({
      %run_scoped3A = tpu.sem_alloc : memref<!tpu.dma_semaphore, #tpu.memory_space<semaphore_mem>>
      %dma_start3A = arith.constant 0 : i32
      %dma_start3A_24 = tpu.memref_slice %arg5[%add3A, %dma_start3A] : memref<20000x16xf32, #tpu.memory_space<hbm>> -> memref<624x16xf32, #tpu.memory_space<hbm>>
      %dma_start3A_25 = arith.constant 0 : i32
      %dma_start3A_26 = tpu.memref_slice %arg9[%mul3A_14, %dma_start3A_25] : memref<10000x16xf32, #tpu.memory_space<vmem_shared>> -> memref<624x16xf32, #tpu.memory_space<vmem_shared>>
      tpu.enqueue_dma source(%dma_start3A_26 : memref<624x16xf32, #tpu.memory_space<vmem_shared>>) target(%dma_start3A_24 : memref<624x16xf32, #tpu.memory_space<hbm>>) target_semaphore(%run_scoped3A : memref<!tpu.dma_semaphore, #tpu.memory_space<semaphore_mem>>)
      %dma_wait3A = arith.constant 0 : i32
      %dma_wait3A_27 = tpu.memref_slice %arg5[%add3A, %dma_wait3A] : memref<20000x16xf32, #tpu.memory_space<hbm>> -> memref<624x16xf32, #tpu.memory_space<hbm>>
      %dma_wait3A_28 = arith.constant 0 : i32
      %dma_wait3A_29 = tpu.memref_slice %arg9[%mul3A_14, %dma_wait3A_28] : memref<10000x16xf32, #tpu.memory_space<vmem_shared>> -> memref<624x16xf32, #tpu.memory_space<vmem_shared>>
      tpu.wait_dma2 semaphore(%run_scoped3A : memref<!tpu.dma_semaphore, #tpu.memory_space<semaphore_mem>>) src(%dma_wait3A_29 : memref<624x16xf32, #tpu.memory_space<vmem_shared>>) dst(%dma_wait3A_27 : memref<624x16xf32, #tpu.memory_space<hbm>>)
      tpu.yield
    }) : () -> ()
    %eq3A_19 = arith.constant 15 : i32
    %eq3A_20 = arith.cmpi eq, %arg1, %eq3A_19 : i32
    %convert_element_type3A_21 = arith.extui %eq3A_20 : i1 to i32
    %cond3A_22 = arith.constant 0 : i32
    %cond3A_23 = arith.cmpi ne, %convert_element_type3A_21, %cond3A_22 : i32
    scf.if %cond3A_23 {
      %mul3A_24 = arith.constant 10000 : i32
      %mul3A_25 = arith.muli %arg0, %mul3A_24 : i32
      %add3A_26 = arith.constant 9984 : i32
      %add3A_27 = arith.addi %mul3A_25, %add3A_26 : i32
      "tpu.region"() ({
        %run_scoped3A = tpu.sem_alloc : memref<!tpu.dma_semaphore, #tpu.memory_space<semaphore_mem>>
        %dma_start3A = arith.constant 0 : i32
        %dma_start3A_28 = tpu.memref_slice %arg5[%add3A_27, %dma_start3A] : memref<20000x16xf32, #tpu.memory_space<hbm>> -> memref<16x16xf32, #tpu.memory_space<hbm>>
        %dma_start3A_29 = arith.constant 9984 : i32
        %dma_start3A_30 = arith.constant 0 : i32
        %dma_start3A_31 = tpu.memref_slice %arg9[%dma_start3A_29, %dma_start3A_30] : memref<10000x16xf32, #tpu.memory_space<vmem_shared>> -> memref<16x16xf32, #tpu.memory_space<vmem_shared>>
        tpu.enqueue_dma source(%dma_start3A_31 : memref<16x16xf32, #tpu.memory_space<vmem_shared>>) target(%dma_start3A_28 : memref<16x16xf32, #tpu.memory_space<hbm>>) target_semaphore(%run_scoped3A : memref<!tpu.dma_semaphore, #tpu.memory_space<semaphore_mem>>)
        %dma_wait3A = arith.constant 0 : i32
        %dma_wait3A_32 = tpu.memref_slice %arg5[%add3A_27, %dma_wait3A] : memref<20000x16xf32, #tpu.memory_space<hbm>> -> memref<16x16xf32, #tpu.memory_space<hbm>>
        %dma_wait3A_33 = arith.constant 9984 : i32
        %dma_wait3A_34 = arith.constant 0 : i32
        %dma_wait3A_35 = tpu.memref_slice %arg9[%dma_wait3A_33, %dma_wait3A_34] : memref<10000x16xf32, #tpu.memory_space<vmem_shared>> -> memref<16x16xf32, #tpu.memory_space<vmem_shared>>
        tpu.wait_dma2 semaphore(%run_scoped3A : memref<!tpu.dma_semaphore, #tpu.memory_space<semaphore_mem>>) src(%dma_wait3A_35 : memref<16x16xf32, #tpu.memory_space<vmem_shared>>) dst(%dma_wait3A_32 : memref<16x16xf32, #tpu.memory_space<hbm>>)
        tpu.yield
      }) : () -> ()
    } else {
    }
    return
  }
}

#map = affine_map<(d0, d1) -> (0, 0)>
#map1 = affine_map<(d0, d1) -> (0)>
module attributes {stable_mosaic.version = 14 : i64} {
  func.func @k(%arg0: i32, %arg1: i32, %arg2: memref<20000x128xf32, #tpu.memory_space<hbm>>, %arg3: memref<320000xi32, #tpu.memory_space<hbm>>, %arg4: memref<160000xi32, #tpu.memory_space<hbm>>, %arg5: memref<10000x128xf32, #tpu.memory_space<hbm>>, %arg6: memref<20000x128xf32, #tpu.memory_space<hbm>>, %arg7: memref<10000xi32, #tpu.memory_space<vmem>>, %arg8: memref<10000xi32, #tpu.memory_space<vmem>>, %arg9: memref<80xi32, #tpu.memory_space<vmem>>, %arg10: memref<80x128xf32, #tpu.memory_space<vmem>>, %arg11: memref<80x128xf32, #tpu.memory_space<vmem>>, %arg12: memref<10000x128xf32, #tpu.memory_space<vmem_shared>>, %arg13: memref<!tpu.dma_semaphore, #tpu.memory_space<semaphore_mem>>) attributes {dimension_semantics = [#tpu.dimension_semantics<core_parallel>, #tpu.dimension_semantics<subcore_parallel>], iteration_bounds = array<i64: 2, 16>, scalar_prefetch = 0 : i64, scratch_operands = 7 : i64, tpu.core_type = #tpu.core_type<sc_vector_subcore>, window_params = [{transform_indices = #map}, {transform_indices = #map1}, {transform_indices = #map1}, {transform_indices = #map}, {transform_indices = #map}]} {
    %mul3A = arith.constant 624 : i32
    %mul3A_0 = arith.muli %arg1, %mul3A : i32
    %mul3A_1 = arith.constant 624 : i32
    %mul3A_2 = arith.muli %arg1, %mul3A_1 : i32
    "tpu.region"() ({
      %run_scoped3A = tpu.sem_alloc : memref<!tpu.dma_semaphore, #tpu.memory_space<semaphore_mem>>
      %dma_start3A_70 = arith.constant 0 : i32
      %dma_start3A_71 = tpu.memref_slice %arg12[%mul3A_2, %dma_start3A_70] : memref<10000x128xf32, #tpu.memory_space<vmem_shared>> -> memref<624x128xf32, #tpu.memory_space<vmem_shared>>
      %dma_start3A_72 = arith.constant 0 : i32
      %dma_start3A_73 = tpu.memref_slice %arg5[%mul3A_0, %dma_start3A_72] : memref<10000x128xf32, #tpu.memory_space<hbm>> -> memref<624x128xf32, #tpu.memory_space<hbm>>
      tpu.enqueue_dma source(%dma_start3A_73 : memref<624x128xf32, #tpu.memory_space<hbm>>) target(%dma_start3A_71 : memref<624x128xf32, #tpu.memory_space<vmem_shared>>) target_semaphore(%run_scoped3A : memref<!tpu.dma_semaphore, #tpu.memory_space<semaphore_mem>>)
      %dma_wait3A_74 = arith.constant 0 : i32
      %dma_wait3A_75 = tpu.memref_slice %arg12[%mul3A_2, %dma_wait3A_74] : memref<10000x128xf32, #tpu.memory_space<vmem_shared>> -> memref<624x128xf32, #tpu.memory_space<vmem_shared>>
      %dma_wait3A_76 = arith.constant 0 : i32
      %dma_wait3A_77 = tpu.memref_slice %arg5[%mul3A_0, %dma_wait3A_76] : memref<10000x128xf32, #tpu.memory_space<hbm>> -> memref<624x128xf32, #tpu.memory_space<hbm>>
      tpu.wait_dma2 semaphore(%run_scoped3A : memref<!tpu.dma_semaphore, #tpu.memory_space<semaphore_mem>>) src(%dma_wait3A_77 : memref<624x128xf32, #tpu.memory_space<hbm>>) dst(%dma_wait3A_75 : memref<624x128xf32, #tpu.memory_space<vmem_shared>>)
      tpu.yield
    }) : () -> ()
    %mul3A_3 = arith.constant 160000 : i32
    %mul3A_4 = arith.muli %arg0, %mul3A_3 : i32
    %mul3A_5 = arith.constant 10000 : i32
    %mul3A_6 = arith.muli %arg1, %mul3A_5 : i32
    %add3A = arith.addi %mul3A_4, %mul3A_6 : i32
    "tpu.region"() ({
      %run_scoped3A = tpu.sem_alloc : memref<!tpu.dma_semaphore, #tpu.memory_space<semaphore_mem>>
      %dma_start3A_70 = tpu.memref_slice %arg3[%add3A] : memref<320000xi32, #tpu.memory_space<hbm>> -> memref<10000xi32, #tpu.memory_space<hbm>>
      %dma_start3A_71 = tpu.memref_slice %arg3[%add3A] : memref<320000xi32, #tpu.memory_space<hbm>> -> memref<10000xi32, #tpu.memory_space<hbm>>
      tpu.enqueue_dma source(%dma_start3A_71 : memref<10000xi32, #tpu.memory_space<hbm>>) target(%arg7 : memref<10000xi32, #tpu.memory_space<vmem>>) target_semaphore(%run_scoped3A : memref<!tpu.dma_semaphore, #tpu.memory_space<semaphore_mem>>)
      %dma_wait3A_72 = tpu.memref_slice %arg3[%add3A] : memref<320000xi32, #tpu.memory_space<hbm>> -> memref<10000xi32, #tpu.memory_space<hbm>>
      %dma_wait3A_73 = tpu.memref_slice %arg3[%add3A] : memref<320000xi32, #tpu.memory_space<hbm>> -> memref<10000xi32, #tpu.memory_space<hbm>>
      tpu.wait_dma2 semaphore(%run_scoped3A : memref<!tpu.dma_semaphore, #tpu.memory_space<semaphore_mem>>) src(%dma_wait3A_73 : memref<10000xi32, #tpu.memory_space<hbm>>) dst(%arg7 : memref<10000xi32, #tpu.memory_space<vmem>>)
      tpu.yield
    }) : () -> ()
    %mul3A_7 = arith.constant 10000 : i32
    %mul3A_8 = arith.muli %arg1, %mul3A_7 : i32
    "tpu.region"() ({
      %run_scoped3A = tpu.sem_alloc : memref<!tpu.dma_semaphore, #tpu.memory_space<semaphore_mem>>
      %dma_start3A_70 = tpu.memref_slice %arg4[%mul3A_8] : memref<160000xi32, #tpu.memory_space<hbm>> -> memref<10000xi32, #tpu.memory_space<hbm>>
      %dma_start3A_71 = tpu.memref_slice %arg4[%mul3A_8] : memref<160000xi32, #tpu.memory_space<hbm>> -> memref<10000xi32, #tpu.memory_space<hbm>>
      tpu.enqueue_dma source(%dma_start3A_71 : memref<10000xi32, #tpu.memory_space<hbm>>) target(%arg8 : memref<10000xi32, #tpu.memory_space<vmem>>) target_semaphore(%run_scoped3A : memref<!tpu.dma_semaphore, #tpu.memory_space<semaphore_mem>>)
      %dma_wait3A_72 = tpu.memref_slice %arg4[%mul3A_8] : memref<160000xi32, #tpu.memory_space<hbm>> -> memref<10000xi32, #tpu.memory_space<hbm>>
      %dma_wait3A_73 = tpu.memref_slice %arg4[%mul3A_8] : memref<160000xi32, #tpu.memory_space<hbm>> -> memref<10000xi32, #tpu.memory_space<hbm>>
      tpu.wait_dma2 semaphore(%run_scoped3A : memref<!tpu.dma_semaphore, #tpu.memory_space<semaphore_mem>>) src(%dma_wait3A_73 : memref<10000xi32, #tpu.memory_space<hbm>>) dst(%arg8 : memref<10000xi32, #tpu.memory_space<vmem>>)
      tpu.yield
    }) : () -> ()
    %eq3A = arith.constant 15 : i32
    %eq3A_9 = arith.cmpi eq, %arg1, %eq3A : i32
    %convert_element_type3A = arith.extui %eq3A_9 : i1 to i32
    %cond3A = arith.constant 0 : i32
    %cond3A_10 = arith.cmpi ne, %convert_element_type3A, %cond3A : i32
    scf.if %cond3A_10 {
      "tpu.region"() ({
        %run_scoped3A = tpu.sem_alloc : memref<!tpu.dma_semaphore, #tpu.memory_space<semaphore_mem>>
        %dma_start3A_70 = arith.constant 9984 : i32
        %dma_start3A_71 = arith.constant 0 : i32
        %dma_start3A_72 = tpu.memref_slice %arg12[%dma_start3A_70, %dma_start3A_71] : memref<10000x128xf32, #tpu.memory_space<vmem_shared>> -> memref<16x128xf32, #tpu.memory_space<vmem_shared>>
        %dma_start3A_73 = arith.constant 9984 : i32
        %dma_start3A_74 = arith.constant 0 : i32
        %dma_start3A_75 = tpu.memref_slice %arg5[%dma_start3A_73, %dma_start3A_74] : memref<10000x128xf32, #tpu.memory_space<hbm>> -> memref<16x128xf32, #tpu.memory_space<hbm>>
        tpu.enqueue_dma source(%dma_start3A_75 : memref<16x128xf32, #tpu.memory_space<hbm>>) target(%dma_start3A_72 : memref<16x128xf32, #tpu.memory_space<vmem_shared>>) target_semaphore(%run_scoped3A : memref<!tpu.dma_semaphore, #tpu.memory_space<semaphore_mem>>)
        %dma_wait3A_76 = arith.constant 9984 : i32
        %dma_wait3A_77 = arith.constant 0 : i32
        %dma_wait3A_78 = tpu.memref_slice %arg12[%dma_wait3A_76, %dma_wait3A_77] : memref<10000x128xf32, #tpu.memory_space<vmem_shared>> -> memref<16x128xf32, #tpu.memory_space<vmem_shared>>
        %dma_wait3A_79 = arith.constant 9984 : i32
        %dma_wait3A_80 = arith.constant 0 : i32
        %dma_wait3A_81 = tpu.memref_slice %arg5[%dma_wait3A_79, %dma_wait3A_80] : memref<10000x128xf32, #tpu.memory_space<hbm>> -> memref<16x128xf32, #tpu.memory_space<hbm>>
        tpu.wait_dma2 semaphore(%run_scoped3A : memref<!tpu.dma_semaphore, #tpu.memory_space<semaphore_mem>>) src(%dma_wait3A_81 : memref<16x128xf32, #tpu.memory_space<hbm>>) dst(%dma_wait3A_78 : memref<16x128xf32, #tpu.memory_space<vmem_shared>>)
        tpu.yield
      }) : () -> ()
    } else {
    }
    %barrier3A = arith.constant 0 : index
    tpu.barrier barrier_id(%barrier3A)
    %dma_start3A = arith.constant 0 : i32
    %dma_start3A_11 = tpu.memref_slice %arg7[%dma_start3A] : memref<10000xi32, #tpu.memory_space<vmem>> -> memref<80xi32, #tpu.memory_space<vmem>>
    %dma_start3A_12 = arith.constant 0 : i32
    %dma_start3A_13 = arith.constant 0 : i32
    %dma_start3A_14 = tpu.memref_slice %arg2[%dma_start3A_12, %dma_start3A_13] : memref<20000x128xf32, #tpu.memory_space<hbm>> -> memref<20000x128xf32, #tpu.memory_space<hbm>>
    tpu.enqueue_indirect_dma source(%dma_start3A_14 : memref<20000x128xf32, #tpu.memory_space<hbm>>) target(%arg10 : memref<80x128xf32, #tpu.memory_space<vmem>>) offsets(%dma_start3A_11 : memref<80xi32, #tpu.memory_space<vmem>>) semaphore(%arg13 : memref<!tpu.dma_semaphore, #tpu.memory_space<semaphore_mem>>)
    %scan3A = arith.constant 0 : i32
    %scan3A_15 = arith.constant 0 : i32
    %scan3A_16 = arith.constant 62 : i32
    %scan3A_17 = arith.addi %scan3A_15, %scan3A_16 : i32
    %scan3A_18 = arith.constant 1 : i32
    scf.for %scan3A_70 = %scan3A_15 to %scan3A_17 step %scan3A_18  : i32 {
      %mul3A_71 = arith.constant 2 : i32
      %mul3A_72 = arith.muli %mul3A_71, %scan3A_70 : i32
      %add3A_73 = arith.constant 1 : i32
      %add3A_74 = arith.addi %mul3A_72, %add3A_73 : i32
      %mul3A_75 = arith.constant 80 : i32
      %mul3A_76 = arith.muli %add3A_74, %mul3A_75 : i32
      %dma_start3A_77 = tpu.memref_slice %arg7[%mul3A_76] : memref<10000xi32, #tpu.memory_space<vmem>> -> memref<80xi32, #tpu.memory_space<vmem>>
      %dma_start3A_78 = arith.constant 0 : i32
      %dma_start3A_79 = arith.constant 0 : i32
      %dma_start3A_80 = tpu.memref_slice %arg2[%dma_start3A_78, %dma_start3A_79] : memref<20000x128xf32, #tpu.memory_space<hbm>> -> memref<20000x128xf32, #tpu.memory_space<hbm>>
      tpu.enqueue_indirect_dma source(%dma_start3A_80 : memref<20000x128xf32, #tpu.memory_space<hbm>>) target(%arg11 : memref<80x128xf32, #tpu.memory_space<vmem>>) offsets(%dma_start3A_77 : memref<80xi32, #tpu.memory_space<vmem>>) semaphore(%arg13 : memref<!tpu.dma_semaphore, #tpu.memory_space<semaphore_mem>>)
      %dma_wait3A_81 = arith.constant 0 : i32
      %dma_wait3A_82 = tpu.memref_slice %arg7[%dma_wait3A_81] : memref<10000xi32, #tpu.memory_space<vmem>> -> memref<80xi32, #tpu.memory_space<vmem>>
      %dma_wait3A_83 = arith.constant 0 : i32
      %dma_wait3A_84 = arith.constant 0 : i32
      %dma_wait3A_85 = tpu.memref_slice %arg2[%dma_wait3A_83, %dma_wait3A_84] : memref<20000x128xf32, #tpu.memory_space<hbm>> -> memref<20000x128xf32, #tpu.memory_space<hbm>>
      tpu.wait_indirect_dma semaphore(%arg13 : memref<!tpu.dma_semaphore, #tpu.memory_space<semaphore_mem>>) src(%dma_wait3A_85 : memref<20000x128xf32, #tpu.memory_space<hbm>>) dst(%arg10 : memref<80x128xf32, #tpu.memory_space<vmem>>)
      %mul3A_86 = arith.constant 2 : i32
      %mul3A_87 = arith.muli %mul3A_86, %scan3A_70 : i32
      %mul3A_88 = arith.constant 80 : i32
      %mul3A_89 = arith.muli %mul3A_87, %mul3A_88 : i32
      %add3A_90 = arith.constant 0 : i32
      %add3A_91 = arith.addi %mul3A_89, %add3A_90 : i32
      %get3A_92 = arith.index_cast %add3A_91 : i32 to index
      %get3A_93 = tpu.vector_load %arg8[%get3A_92] {strides = array<i32>} : memref<10000xi32, #tpu.memory_space<vmem>>, vector<16xi32>,
      %get3A_94 = vector.shape_cast %get3A_93 : vector<16xi32> to vector<16xi32>
      %swap3A_95 = arith.constant 0 : index
      %swap3A_96 = tpu.vector_load %arg9[%swap3A_95] {strides = array<i32>} : memref<80xi32, #tpu.memory_space<vmem>>, vector<16xi32>,
      %swap3A_97 = vector.shape_cast %swap3A_96 : vector<16xi32> to vector<16xi32>
      %swap3A_98 = vector.shape_cast %get3A_94 : vector<16xi32> to vector<16xi32>
      tpu.vector_store %arg9[%swap3A_95], %swap3A_98 {strides = array<i32>} : memref<80xi32, #tpu.memory_space<vmem>>, vector<16xi32>,
      %mul3A_99 = arith.constant 80 : i32
      %mul3A_100 = arith.muli %mul3A_87, %mul3A_99 : i32
      %add3A_101 = arith.constant 16 : i32
      %add3A_102 = arith.addi %mul3A_100, %add3A_101 : i32
      %get3A_103 = arith.index_cast %add3A_102 : i32 to index
      %get3A_104 = tpu.vector_load %arg8[%get3A_103] {strides = array<i32>} : memref<10000xi32, #tpu.memory_space<vmem>>, vector<16xi32>,
      %get3A_105 = vector.shape_cast %get3A_104 : vector<16xi32> to vector<16xi32>
      %swap3A_106 = arith.constant 16 : index
      %swap3A_107 = tpu.vector_load %arg9[%swap3A_106] {strides = array<i32>} : memref<80xi32, #tpu.memory_space<vmem>>, vector<16xi32>,
      %swap3A_108 = vector.shape_cast %swap3A_107 : vector<16xi32> to vector<16xi32>
      %swap3A_109 = vector.shape_cast %get3A_105 : vector<16xi32> to vector<16xi32>
      tpu.vector_store %arg9[%swap3A_106], %swap3A_109 {strides = array<i32>} : memref<80xi32, #tpu.memory_space<vmem>>, vector<16xi32>,
      %mul3A_110 = arith.constant 80 : i32
      %mul3A_111 = arith.muli %mul3A_87, %mul3A_110 : i32
      %add3A_112 = arith.constant 32 : i32
      %add3A_113 = arith.addi %mul3A_111, %add3A_112 : i32
      %get3A_114 = arith.index_cast %add3A_113 : i32 to index
      %get3A_115 = tpu.vector_load %arg8[%get3A_114] {strides = array<i32>} : memref<10000xi32, #tpu.memory_space<vmem>>, vector<16xi32>,
      %get3A_116 = vector.shape_cast %get3A_115 : vector<16xi32> to vector<16xi32>
      %swap3A_117 = arith.constant 32 : index
      %swap3A_118 = tpu.vector_load %arg9[%swap3A_117] {strides = array<i32>} : memref<80xi32, #tpu.memory_space<vmem>>, vector<16xi32>,
      %swap3A_119 = vector.shape_cast %swap3A_118 : vector<16xi32> to vector<16xi32>
      %swap3A_120 = vector.shape_cast %get3A_116 : vector<16xi32> to vector<16xi32>
      tpu.vector_store %arg9[%swap3A_117], %swap3A_120 {strides = array<i32>} : memref<80xi32, #tpu.memory_space<vmem>>, vector<16xi32>,
      %mul3A_121 = arith.constant 80 : i32
      %mul3A_122 = arith.muli %mul3A_87, %mul3A_121 : i32
      %add3A_123 = arith.constant 48 : i32
      %add3A_124 = arith.addi %mul3A_122, %add3A_123 : i32
      %get3A_125 = arith.index_cast %add3A_124 : i32 to index
      %get3A_126 = tpu.vector_load %arg8[%get3A_125] {strides = array<i32>} : memref<10000xi32, #tpu.memory_space<vmem>>, vector<16xi32>,
      %get3A_127 = vector.shape_cast %get3A_126 : vector<16xi32> to vector<16xi32>
      %swap3A_128 = arith.constant 48 : index
      %swap3A_129 = tpu.vector_load %arg9[%swap3A_128] {strides = array<i32>} : memref<80xi32, #tpu.memory_space<vmem>>, vector<16xi32>,
      %swap3A_130 = vector.shape_cast %swap3A_129 : vector<16xi32> to vector<16xi32>
      %swap3A_131 = vector.shape_cast %get3A_127 : vector<16xi32> to vector<16xi32>
      tpu.vector_store %arg9[%swap3A_128], %swap3A_131 {strides = array<i32>} : memref<80xi32, #tpu.memory_space<vmem>>, vector<16xi32>,
      %mul3A_132 = arith.constant 80 : i32
      %mul3A_133 = arith.muli %mul3A_87, %mul3A_132 : i32
      %add3A_134 = arith.constant 64 : i32
      %add3A_135 = arith.addi %mul3A_133, %add3A_134 : i32
      %get3A_136 = arith.index_cast %add3A_135 : i32 to index
      %get3A_137 = tpu.vector_load %arg8[%get3A_136] {strides = array<i32>} : memref<10000xi32, #tpu.memory_space<vmem>>, vector<16xi32>,
      %get3A_138 = vector.shape_cast %get3A_137 : vector<16xi32> to vector<16xi32>
      %swap3A_139 = arith.constant 64 : index
      %swap3A_140 = tpu.vector_load %arg9[%swap3A_139] {strides = array<i32>} : memref<80xi32, #tpu.memory_space<vmem>>, vector<16xi32>,
      %swap3A_141 = vector.shape_cast %swap3A_140 : vector<16xi32> to vector<16xi32>
      %swap3A_142 = vector.shape_cast %get3A_138 : vector<16xi32> to vector<16xi32>
      tpu.vector_store %arg9[%swap3A_139], %swap3A_142 {strides = array<i32>} : memref<80xi32, #tpu.memory_space<vmem>>, vector<16xi32>,
      "tpu.region"() ({
        %run_scoped3A = tpu.sem_alloc : memref<!tpu.dma_semaphore, #tpu.memory_space<semaphore_mem>>
        %dma_start3A_217 = arith.constant 0 : i32
        %dma_start3A_218 = arith.constant 0 : i32
        %dma_start3A_219 = tpu.memref_slice %arg12[%dma_start3A_217, %dma_start3A_218] : memref<10000x128xf32, #tpu.memory_space<vmem_shared>> -> memref<10000x128xf32, #tpu.memory_space<vmem_shared>>
        tpu.enqueue_indirect_dma source(%arg10 : memref<80x128xf32, #tpu.memory_space<vmem>>) target(%dma_start3A_219 : memref<10000x128xf32, #tpu.memory_space<vmem_shared>>) offsets(%arg9 : memref<80xi32, #tpu.memory_space<vmem>>) semaphore(%run_scoped3A : memref<!tpu.dma_semaphore, #tpu.memory_space<semaphore_mem>>) {add = true}
        %dma_wait3A_220 = arith.constant 0 : i32
        %dma_wait3A_221 = arith.constant 0 : i32
        %dma_wait3A_222 = tpu.memref_slice %arg12[%dma_wait3A_220, %dma_wait3A_221] : memref<10000x128xf32, #tpu.memory_space<vmem_shared>> -> memref<10000x128xf32, #tpu.memory_space<vmem_shared>>
        tpu.wait_indirect_dma semaphore(%run_scoped3A : memref<!tpu.dma_semaphore, #tpu.memory_space<semaphore_mem>>) src(%arg10 : memref<80x128xf32, #tpu.memory_space<vmem>>) dst(%dma_wait3A_222 : memref<10000x128xf32, #tpu.memory_space<vmem_shared>>)
        tpu.yield
      }) : () -> ()
      %mul3A_143 = arith.constant 2 : i32
      %mul3A_144 = arith.muli %mul3A_143, %scan3A_70 : i32
      %add3A_145 = arith.constant 2 : i32
      %add3A_146 = arith.addi %mul3A_144, %add3A_145 : i32
      %mul3A_147 = arith.constant 80 : i32
      %mul3A_148 = arith.muli %add3A_146, %mul3A_147 : i32
      %dma_start3A_149 = tpu.memref_slice %arg7[%mul3A_148] : memref<10000xi32, #tpu.memory_space<vmem>> -> memref<80xi32, #tpu.memory_space<vmem>>
      %dma_start3A_150 = arith.constant 0 : i32
      %dma_start3A_151 = arith.constant 0 : i32
      %dma_start3A_152 = tpu.memref_slice %arg2[%dma_start3A_150, %dma_start3A_151] : memref<20000x128xf32, #tpu.memory_space<hbm>> -> memref<20000x128xf32, #tpu.memory_space<hbm>>
      tpu.enqueue_indirect_dma source(%dma_start3A_152 : memref<20000x128xf32, #tpu.memory_space<hbm>>) target(%arg10 : memref<80x128xf32, #tpu.memory_space<vmem>>) offsets(%dma_start3A_149 : memref<80xi32, #tpu.memory_space<vmem>>) semaphore(%arg13 : memref<!tpu.dma_semaphore, #tpu.memory_space<semaphore_mem>>)
      %dma_wait3A_153 = arith.constant 0 : i32
      %dma_wait3A_154 = tpu.memref_slice %arg7[%dma_wait3A_153] : memref<10000xi32, #tpu.memory_space<vmem>> -> memref<80xi32, #tpu.memory_space<vmem>>
      %dma_wait3A_155 = arith.constant 0 : i32
      %dma_wait3A_156 = arith.constant 0 : i32
      %dma_wait3A_157 = tpu.memref_slice %arg2[%dma_wait3A_155, %dma_wait3A_156] : memref<20000x128xf32, #tpu.memory_space<hbm>> -> memref<20000x128xf32, #tpu.memory_space<hbm>>
      tpu.wait_indirect_dma semaphore(%arg13 : memref<!tpu.dma_semaphore, #tpu.memory_space<semaphore_mem>>) src(%dma_wait3A_157 : memref<20000x128xf32, #tpu.memory_space<hbm>>) dst(%arg11 : memref<80x128xf32, #tpu.memory_space<vmem>>)
      %mul3A_158 = arith.constant 2 : i32
      %mul3A_159 = arith.muli %mul3A_158, %scan3A_70 : i32
      %add3A_160 = arith.constant 1 : i32
      %add3A_161 = arith.addi %mul3A_159, %add3A_160 : i32
      %mul3A_162 = arith.constant 80 : i32
      %mul3A_163 = arith.muli %add3A_161, %mul3A_162 : i32
      %add3A_164 = arith.constant 0 : i32
      %add3A_165 = arith.addi %mul3A_163, %add3A_164 : i32
      %get3A_166 = arith.index_cast %add3A_165 : i32 to index
      %get3A_167 = tpu.vector_load %arg8[%get3A_166] {strides = array<i32>} : memref<10000xi32, #tpu.memory_space<vmem>>, vector<16xi32>,
      %get3A_168 = vector.shape_cast %get3A_167 : vector<16xi32> to vector<16xi32>
      %swap3A_169 = arith.constant 0 : index
      %swap3A_170 = tpu.vector_load %arg9[%swap3A_169] {strides = array<i32>} : memref<80xi32, #tpu.memory_space<vmem>>, vector<16xi32>,
      %swap3A_171 = vector.shape_cast %swap3A_170 : vector<16xi32> to vector<16xi32>
      %swap3A_172 = vector.shape_cast %get3A_168 : vector<16xi32> to vector<16xi32>
      tpu.vector_store %arg9[%swap3A_169], %swap3A_172 {strides = array<i32>} : memref<80xi32, #tpu.memory_space<vmem>>, vector<16xi32>,
      %mul3A_173 = arith.constant 80 : i32
      %mul3A_174 = arith.muli %add3A_161, %mul3A_173 : i32
      %add3A_175 = arith.constant 16 : i32
      %add3A_176 = arith.addi %mul3A_174, %add3A_175 : i32
      %get3A_177 = arith.index_cast %add3A_176 : i32 to index
      %get3A_178 = tpu.vector_load %arg8[%get3A_177] {strides = array<i32>} : memref<10000xi32, #tpu.memory_space<vmem>>, vector<16xi32>,
      %get3A_179 = vector.shape_cast %get3A_178 : vector<16xi32> to vector<16xi32>
      %swap3A_180 = arith.constant 16 : index
      %swap3A_181 = tpu.vector_load %arg9[%swap3A_180] {strides = array<i32>} : memref<80xi32, #tpu.memory_space<vmem>>, vector<16xi32>,
      %swap3A_182 = vector.shape_cast %swap3A_181 : vector<16xi32> to vector<16xi32>
      %swap3A_183 = vector.shape_cast %get3A_179 : vector<16xi32> to vector<16xi32>
      tpu.vector_store %arg9[%swap3A_180], %swap3A_183 {strides = array<i32>} : memref<80xi32, #tpu.memory_space<vmem>>, vector<16xi32>,
      %mul3A_184 = arith.constant 80 : i32
      %mul3A_185 = arith.muli %add3A_161, %mul3A_184 : i32
      %add3A_186 = arith.constant 32 : i32
      %add3A_187 = arith.addi %mul3A_185, %add3A_186 : i32
      %get3A_188 = arith.index_cast %add3A_187 : i32 to index
      %get3A_189 = tpu.vector_load %arg8[%get3A_188] {strides = array<i32>} : memref<10000xi32, #tpu.memory_space<vmem>>, vector<16xi32>,
      %get3A_190 = vector.shape_cast %get3A_189 : vector<16xi32> to vector<16xi32>
      %swap3A_191 = arith.constant 32 : index
      %swap3A_192 = tpu.vector_load %arg9[%swap3A_191] {strides = array<i32>} : memref<80xi32, #tpu.memory_space<vmem>>, vector<16xi32>,
      %swap3A_193 = vector.shape_cast %swap3A_192 : vector<16xi32> to vector<16xi32>
      %swap3A_194 = vector.shape_cast %get3A_190 : vector<16xi32> to vector<16xi32>
      tpu.vector_store %arg9[%swap3A_191], %swap3A_194 {strides = array<i32>} : memref<80xi32, #tpu.memory_space<vmem>>, vector<16xi32>,
      %mul3A_195 = arith.constant 80 : i32
      %mul3A_196 = arith.muli %add3A_161, %mul3A_195 : i32
      %add3A_197 = arith.constant 48 : i32
      %add3A_198 = arith.addi %mul3A_196, %add3A_197 : i32
      %get3A_199 = arith.index_cast %add3A_198 : i32 to index
      %get3A_200 = tpu.vector_load %arg8[%get3A_199] {strides = array<i32>} : memref<10000xi32, #tpu.memory_space<vmem>>, vector<16xi32>,
      %get3A_201 = vector.shape_cast %get3A_200 : vector<16xi32> to vector<16xi32>
      %swap3A_202 = arith.constant 48 : index
      %swap3A_203 = tpu.vector_load %arg9[%swap3A_202] {strides = array<i32>} : memref<80xi32, #tpu.memory_space<vmem>>, vector<16xi32>,
      %swap3A_204 = vector.shape_cast %swap3A_203 : vector<16xi32> to vector<16xi32>
      %swap3A_205 = vector.shape_cast %get3A_201 : vector<16xi32> to vector<16xi32>
      tpu.vector_store %arg9[%swap3A_202], %swap3A_205 {strides = array<i32>} : memref<80xi32, #tpu.memory_space<vmem>>, vector<16xi32>,
      %mul3A_206 = arith.constant 80 : i32
      %mul3A_207 = arith.muli %add3A_161, %mul3A_206 : i32
      %add3A_208 = arith.constant 64 : i32
      %add3A_209 = arith.addi %mul3A_207, %add3A_208 : i32
      %get3A_210 = arith.index_cast %add3A_209 : i32 to index
      %get3A_211 = tpu.vector_load %arg8[%get3A_210] {strides = array<i32>} : memref<10000xi32, #tpu.memory_space<vmem>>, vector<16xi32>,
      %get3A_212 = vector.shape_cast %get3A_211 : vector<16xi32> to vector<16xi32>
      %swap3A_213 = arith.constant 64 : index
      %swap3A_214 = tpu.vector_load %arg9[%swap3A_213] {strides = array<i32>} : memref<80xi32, #tpu.memory_space<vmem>>, vector<16xi32>,
      %swap3A_215 = vector.shape_cast %swap3A_214 : vector<16xi32> to vector<16xi32>
      %swap3A_216 = vector.shape_cast %get3A_212 : vector<16xi32> to vector<16xi32>
      tpu.vector_store %arg9[%swap3A_213], %swap3A_216 {strides = array<i32>} : memref<80xi32, #tpu.memory_space<vmem>>, vector<16xi32>,
      "tpu.region"() ({
        %run_scoped3A = tpu.sem_alloc : memref<!tpu.dma_semaphore, #tpu.memory_space<semaphore_mem>>
        %dma_start3A_217 = arith.constant 0 : i32
        %dma_start3A_218 = arith.constant 0 : i32
        %dma_start3A_219 = tpu.memref_slice %arg12[%dma_start3A_217, %dma_start3A_218] : memref<10000x128xf32, #tpu.memory_space<vmem_shared>> -> memref<10000x128xf32, #tpu.memory_space<vmem_shared>>
        tpu.enqueue_indirect_dma source(%arg11 : memref<80x128xf32, #tpu.memory_space<vmem>>) target(%dma_start3A_219 : memref<10000x128xf32, #tpu.memory_space<vmem_shared>>) offsets(%arg9 : memref<80xi32, #tpu.memory_space<vmem>>) semaphore(%run_scoped3A : memref<!tpu.dma_semaphore, #tpu.memory_space<semaphore_mem>>) {add = true}
        %dma_wait3A_220 = arith.constant 0 : i32
        %dma_wait3A_221 = arith.constant 0 : i32
        %dma_wait3A_222 = tpu.memref_slice %arg12[%dma_wait3A_220, %dma_wait3A_221] : memref<10000x128xf32, #tpu.memory_space<vmem_shared>> -> memref<10000x128xf32, #tpu.memory_space<vmem_shared>>
        tpu.wait_indirect_dma semaphore(%run_scoped3A : memref<!tpu.dma_semaphore, #tpu.memory_space<semaphore_mem>>) src(%arg11 : memref<80x128xf32, #tpu.memory_space<vmem>>) dst(%dma_wait3A_222 : memref<10000x128xf32, #tpu.memory_space<vmem_shared>>)
        tpu.yield
      }) : () -> ()
    }
    %scan3A_19 = arith.constant 62 : i32
    %dma_wait3A = arith.constant 0 : i32
    %dma_wait3A_20 = tpu.memref_slice %arg7[%dma_wait3A] : memref<10000xi32, #tpu.memory_space<vmem>> -> memref<80xi32, #tpu.memory_space<vmem>>
    %dma_wait3A_21 = arith.constant 0 : i32
    %dma_wait3A_22 = arith.constant 0 : i32
    %dma_wait3A_23 = tpu.memref_slice %arg2[%dma_wait3A_21, %dma_wait3A_22] : memref<20000x128xf32, #tpu.memory_space<hbm>> -> memref<20000x128xf32, #tpu.memory_space<hbm>>
    tpu.wait_indirect_dma semaphore(%arg13 : memref<!tpu.dma_semaphore, #tpu.memory_space<semaphore_mem>>) src(%dma_wait3A_23 : memref<20000x128xf32, #tpu.memory_space<hbm>>) dst(%arg10 : memref<80x128xf32, #tpu.memory_space<vmem>>)
    %get3A = arith.constant 9920 : index
    %get3A_24 = tpu.vector_load %arg8[%get3A] {strides = array<i32>} : memref<10000xi32, #tpu.memory_space<vmem>>, vector<16xi32>,
    %get3A_25 = vector.shape_cast %get3A_24 : vector<16xi32> to vector<16xi32>
    %swap3A = arith.constant 0 : index
    %swap3A_26 = tpu.vector_load %arg9[%swap3A] {strides = array<i32>} : memref<80xi32, #tpu.memory_space<vmem>>, vector<16xi32>,
    %swap3A_27 = vector.shape_cast %swap3A_26 : vector<16xi32> to vector<16xi32>
    %swap3A_28 = vector.shape_cast %get3A_25 : vector<16xi32> to vector<16xi32>
    tpu.vector_store %arg9[%swap3A], %swap3A_28 {strides = array<i32>} : memref<80xi32, #tpu.memory_space<vmem>>, vector<16xi32>,
    %get3A_29 = arith.constant 9936 : index
    %get3A_30 = tpu.vector_load %arg8[%get3A_29] {strides = array<i32>} : memref<10000xi32, #tpu.memory_space<vmem>>, vector<16xi32>,
    %get3A_31 = vector.shape_cast %get3A_30 : vector<16xi32> to vector<16xi32>
    %swap3A_32 = arith.constant 16 : index
    %swap3A_33 = tpu.vector_load %arg9[%swap3A_32] {strides = array<i32>} : memref<80xi32, #tpu.memory_space<vmem>>, vector<16xi32>,
    %swap3A_34 = vector.shape_cast %swap3A_33 : vector<16xi32> to vector<16xi32>
    %swap3A_35 = vector.shape_cast %get3A_31 : vector<16xi32> to vector<16xi32>
    tpu.vector_store %arg9[%swap3A_32], %swap3A_35 {strides = array<i32>} : memref<80xi32, #tpu.memory_space<vmem>>, vector<16xi32>,
    %get3A_36 = arith.constant 9952 : index
    %get3A_37 = tpu.vector_load %arg8[%get3A_36] {strides = array<i32>} : memref<10000xi32, #tpu.memory_space<vmem>>, vector<16xi32>,
    %get3A_38 = vector.shape_cast %get3A_37 : vector<16xi32> to vector<16xi32>
    %swap3A_39 = arith.constant 32 : index
    %swap3A_40 = tpu.vector_load %arg9[%swap3A_39] {strides = array<i32>} : memref<80xi32, #tpu.memory_space<vmem>>, vector<16xi32>,
    %swap3A_41 = vector.shape_cast %swap3A_40 : vector<16xi32> to vector<16xi32>
    %swap3A_42 = vector.shape_cast %get3A_38 : vector<16xi32> to vector<16xi32>
    tpu.vector_store %arg9[%swap3A_39], %swap3A_42 {strides = array<i32>} : memref<80xi32, #tpu.memory_space<vmem>>, vector<16xi32>,
    %get3A_43 = arith.constant 9968 : index
    %get3A_44 = tpu.vector_load %arg8[%get3A_43] {strides = array<i32>} : memref<10000xi32, #tpu.memory_space<vmem>>, vector<16xi32>,
    %get3A_45 = vector.shape_cast %get3A_44 : vector<16xi32> to vector<16xi32>
    %swap3A_46 = arith.constant 48 : index
    %swap3A_47 = tpu.vector_load %arg9[%swap3A_46] {strides = array<i32>} : memref<80xi32, #tpu.memory_space<vmem>>, vector<16xi32>,
    %swap3A_48 = vector.shape_cast %swap3A_47 : vector<16xi32> to vector<16xi32>
    %swap3A_49 = vector.shape_cast %get3A_45 : vector<16xi32> to vector<16xi32>
    tpu.vector_store %arg9[%swap3A_46], %swap3A_49 {strides = array<i32>} : memref<80xi32, #tpu.memory_space<vmem>>, vector<16xi32>,
    %get3A_50 = arith.constant 9984 : index
    %get3A_51 = tpu.vector_load %arg8[%get3A_50] {strides = array<i32>} : memref<10000xi32, #tpu.memory_space<vmem>>, vector<16xi32>,
    %get3A_52 = vector.shape_cast %get3A_51 : vector<16xi32> to vector<16xi32>
    %swap3A_53 = arith.constant 64 : index
    %swap3A_54 = tpu.vector_load %arg9[%swap3A_53] {strides = array<i32>} : memref<80xi32, #tpu.memory_space<vmem>>, vector<16xi32>,
    %swap3A_55 = vector.shape_cast %swap3A_54 : vector<16xi32> to vector<16xi32>
    %swap3A_56 = vector.shape_cast %get3A_52 : vector<16xi32> to vector<16xi32>
    tpu.vector_store %arg9[%swap3A_53], %swap3A_56 {strides = array<i32>} : memref<80xi32, #tpu.memory_space<vmem>>, vector<16xi32>,
    "tpu.region"() ({
      %run_scoped3A = tpu.sem_alloc : memref<!tpu.dma_semaphore, #tpu.memory_space<semaphore_mem>>
      %dma_start3A_70 = arith.constant 0 : i32
      %dma_start3A_71 = arith.constant 0 : i32
      %dma_start3A_72 = tpu.memref_slice %arg12[%dma_start3A_70, %dma_start3A_71] : memref<10000x128xf32, #tpu.memory_space<vmem_shared>> -> memref<10000x128xf32, #tpu.memory_space<vmem_shared>>
      tpu.enqueue_indirect_dma source(%arg10 : memref<80x128xf32, #tpu.memory_space<vmem>>) target(%dma_start3A_72 : memref<10000x128xf32, #tpu.memory_space<vmem_shared>>) offsets(%arg9 : memref<80xi32, #tpu.memory_space<vmem>>) semaphore(%run_scoped3A : memref<!tpu.dma_semaphore, #tpu.memory_space<semaphore_mem>>) {add = true}
      %dma_wait3A_73 = arith.constant 0 : i32
      %dma_wait3A_74 = arith.constant 0 : i32
      %dma_wait3A_75 = tpu.memref_slice %arg12[%dma_wait3A_73, %dma_wait3A_74] : memref<10000x128xf32, #tpu.memory_space<vmem_shared>> -> memref<10000x128xf32, #tpu.memory_space<vmem_shared>>
      tpu.wait_indirect_dma semaphore(%run_scoped3A : memref<!tpu.dma_semaphore, #tpu.memory_space<semaphore_mem>>) src(%arg10 : memref<80x128xf32, #tpu.memory_space<vmem>>) dst(%dma_wait3A_75 : memref<10000x128xf32, #tpu.memory_space<vmem_shared>>)
      tpu.yield
    }) : () -> ()
    %barrier3A_57 = arith.constant 0 : index
    tpu.barrier barrier_id(%barrier3A_57)
    %mul3A_58 = arith.constant 624 : i32
    %mul3A_59 = arith.muli %arg1, %mul3A_58 : i32
    %mul3A_60 = arith.constant 10000 : i32
    %mul3A_61 = arith.muli %arg0, %mul3A_60 : i32
    %mul3A_62 = arith.constant 624 : i32
    %mul3A_63 = arith.muli %arg1, %mul3A_62 : i32
    %add3A_64 = arith.addi %mul3A_61, %mul3A_63 : i32
    "tpu.region"() ({
      %run_scoped3A = tpu.sem_alloc : memref<!tpu.dma_semaphore, #tpu.memory_space<semaphore_mem>>
      %dma_start3A_70 = arith.constant 0 : i32
      %dma_start3A_71 = tpu.memref_slice %arg6[%add3A_64, %dma_start3A_70] : memref<20000x128xf32, #tpu.memory_space<hbm>> -> memref<624x128xf32, #tpu.memory_space<hbm>>
      %dma_start3A_72 = arith.constant 0 : i32
      %dma_start3A_73 = tpu.memref_slice %arg12[%mul3A_59, %dma_start3A_72] : memref<10000x128xf32, #tpu.memory_space<vmem_shared>> -> memref<624x128xf32, #tpu.memory_space<vmem_shared>>
      tpu.enqueue_dma source(%dma_start3A_73 : memref<624x128xf32, #tpu.memory_space<vmem_shared>>) target(%dma_start3A_71 : memref<624x128xf32, #tpu.memory_space<hbm>>) target_semaphore(%run_scoped3A : memref<!tpu.dma_semaphore, #tpu.memory_space<semaphore_mem>>)
      %dma_wait3A_74 = arith.constant 0 : i32
      %dma_wait3A_75 = tpu.memref_slice %arg6[%add3A_64, %dma_wait3A_74] : memref<20000x128xf32, #tpu.memory_space<hbm>> -> memref<624x128xf32, #tpu.memory_space<hbm>>
      %dma_wait3A_76 = arith.constant 0 : i32
      %dma_wait3A_77 = tpu.memref_slice %arg12[%mul3A_59, %dma_wait3A_76] : memref<10000x128xf32, #tpu.memory_space<vmem_shared>> -> memref<624x128xf32, #tpu.memory_space<vmem_shared>>
      tpu.wait_dma2 semaphore(%run_scoped3A : memref<!tpu.dma_semaphore, #tpu.memory_space<semaphore_mem>>) src(%dma_wait3A_77 : memref<624x128xf32, #tpu.memory_space<vmem_shared>>) dst(%dma_wait3A_75 : memref<624x128xf32, #tpu.memory_space<hbm>>)
      tpu.yield
    }) : () -> ()
    %eq3A_65 = arith.constant 15 : i32
    %eq3A_66 = arith.cmpi eq, %arg1, %eq3A_65 : i32
    %convert_element_type3A_67 = arith.extui %eq3A_66 : i1 to i32
    %cond3A_68 = arith.constant 0 : i32
    %cond3A_69 = arith.cmpi ne, %convert_element_type3A_67, %cond3A_68 : i32
    scf.if %cond3A_69 {
      %mul3A_70 = arith.constant 10000 : i32
      %mul3A_71 = arith.muli %arg0, %mul3A_70 : i32
      %add3A_72 = arith.constant 9984 : i32
      %add3A_73 = arith.addi %mul3A_71, %add3A_72 : i32
      "tpu.region"() ({
        %run_scoped3A = tpu.sem_alloc : memref<!tpu.dma_semaphore, #tpu.memory_space<semaphore_mem>>
        %dma_start3A_74 = arith.constant 0 : i32
        %dma_start3A_75 = tpu.memref_slice %arg6[%add3A_73, %dma_start3A_74] : memref<20000x128xf32, #tpu.memory_space<hbm>> -> memref<16x128xf32, #tpu.memory_space<hbm>>
        %dma_start3A_76 = arith.constant 9984 : i32
        %dma_start3A_77 = arith.constant 0 : i32
        %dma_start3A_78 = tpu.memref_slice %arg12[%dma_start3A_76, %dma_start3A_77] : memref<10000x128xf32, #tpu.memory_space<vmem_shared>> -> memref<16x128xf32, #tpu.memory_space<vmem_shared>>
        tpu.enqueue_dma source(%dma_start3A_78 : memref<16x128xf32, #tpu.memory_space<vmem_shared>>) target(%dma_start3A_75 : memref<16x128xf32, #tpu.memory_space<hbm>>) target_semaphore(%run_scoped3A : memref<!tpu.dma_semaphore, #tpu.memory_space<semaphore_mem>>)
        %dma_wait3A_79 = arith.constant 0 : i32
        %dma_wait3A_80 = tpu.memref_slice %arg6[%add3A_73, %dma_wait3A_79] : memref<20000x128xf32, #tpu.memory_space<hbm>> -> memref<16x128xf32, #tpu.memory_space<hbm>>
        %dma_wait3A_81 = arith.constant 9984 : i32
        %dma_wait3A_82 = arith.constant 0 : i32
        %dma_wait3A_83 = tpu.memref_slice %arg12[%dma_wait3A_81, %dma_wait3A_82] : memref<10000x128xf32, #tpu.memory_space<vmem_shared>> -> memref<16x128xf32, #tpu.memory_space<vmem_shared>>
        tpu.wait_dma2 semaphore(%run_scoped3A : memref<!tpu.dma_semaphore, #tpu.memory_space<semaphore_mem>>) src(%dma_wait3A_83 : memref<16x128xf32, #tpu.memory_space<vmem_shared>>) dst(%dma_wait3A_80 : memref<16x128xf32, #tpu.memory_space<hbm>>)
        tpu.yield
      }) : () -> ()
    } else {
    }
    return
  }
}

#map = affine_map<(d0, d1) -> (0, 0)>
#map1 = affine_map<(d0, d1) -> (0)>
module attributes {stable_mosaic.version = 14 : i64} {
  func.func @k(%arg0: i32, %arg1: i32, %arg2: memref<20000x128xf32, #tpu.memory_space<hbm>>, %arg3: memref<320000xi32, #tpu.memory_space<hbm>>, %arg4: memref<160000xi32, #tpu.memory_space<hbm>>, %arg5: memref<10000x128xf32, #tpu.memory_space<hbm>>, %arg6: memref<20000x128xf32, #tpu.memory_space<hbm>>, %arg7: memref<10000xi32, #tpu.memory_space<vmem>>, %arg8: memref<10000xi32, #tpu.memory_space<vmem>>, %arg9: memref<80xi32, #tpu.memory_space<vmem>>, %arg10: memref<80x128xf32, #tpu.memory_space<vmem>>, %arg11: memref<80x128xf32, #tpu.memory_space<vmem>>, %arg12: memref<10000x128xf32, #tpu.memory_space<vmem_shared>>, %arg13: memref<!tpu.dma_semaphore, #tpu.memory_space<semaphore_mem>>) attributes {dimension_semantics = [#tpu.dimension_semantics<core_parallel>, #tpu.dimension_semantics<subcore_parallel>], iteration_bounds = array<i64: 2, 16>, scalar_prefetch = 0 : i64, scratch_operands = 7 : i64, tpu.core_type = #tpu.core_type<sc_vector_subcore>, window_params = [{transform_indices = #map}, {transform_indices = #map1}, {transform_indices = #map1}, {transform_indices = #map}, {transform_indices = #map}]} {
    %mul3A = arith.constant 624 : i32
    %mul3A_0 = arith.muli %arg1, %mul3A : i32
    %mul3A_1 = arith.constant 624 : i32
    %mul3A_2 = arith.muli %arg1, %mul3A_1 : i32
    "tpu.region"() ({
      %run_scoped3A = tpu.sem_alloc : memref<!tpu.dma_semaphore, #tpu.memory_space<semaphore_mem>>
      %dma_start3A_70 = arith.constant 0 : i32
      %dma_start3A_71 = tpu.memref_slice %arg12[%mul3A_2, %dma_start3A_70] : memref<10000x128xf32, #tpu.memory_space<vmem_shared>> -> memref<624x128xf32, #tpu.memory_space<vmem_shared>>
      %dma_start3A_72 = arith.constant 0 : i32
      %dma_start3A_73 = tpu.memref_slice %arg5[%mul3A_0, %dma_start3A_72] : memref<10000x128xf32, #tpu.memory_space<hbm>> -> memref<624x128xf32, #tpu.memory_space<hbm>>
      tpu.enqueue_dma source(%dma_start3A_73 : memref<624x128xf32, #tpu.memory_space<hbm>>) target(%dma_start3A_71 : memref<624x128xf32, #tpu.memory_space<vmem_shared>>) target_semaphore(%run_scoped3A : memref<!tpu.dma_semaphore, #tpu.memory_space<semaphore_mem>>)
      %dma_wait3A_74 = arith.constant 0 : i32
      %dma_wait3A_75 = tpu.memref_slice %arg12[%mul3A_2, %dma_wait3A_74] : memref<10000x128xf32, #tpu.memory_space<vmem_shared>> -> memref<624x128xf32, #tpu.memory_space<vmem_shared>>
      %dma_wait3A_76 = arith.constant 0 : i32
      %dma_wait3A_77 = tpu.memref_slice %arg5[%mul3A_0, %dma_wait3A_76] : memref<10000x128xf32, #tpu.memory_space<hbm>> -> memref<624x128xf32, #tpu.memory_space<hbm>>
      tpu.wait_dma2 semaphore(%run_scoped3A : memref<!tpu.dma_semaphore, #tpu.memory_space<semaphore_mem>>) src(%dma_wait3A_77 : memref<624x128xf32, #tpu.memory_space<hbm>>) dst(%dma_wait3A_75 : memref<624x128xf32, #tpu.memory_space<vmem_shared>>)
      tpu.yield
    }) : () -> ()
    %mul3A_3 = arith.constant 160000 : i32
    %mul3A_4 = arith.muli %arg0, %mul3A_3 : i32
    %mul3A_5 = arith.constant 10000 : i32
    %mul3A_6 = arith.muli %arg1, %mul3A_5 : i32
    %add3A = arith.addi %mul3A_4, %mul3A_6 : i32
    "tpu.region"() ({
      %run_scoped3A = tpu.sem_alloc : memref<!tpu.dma_semaphore, #tpu.memory_space<semaphore_mem>>
      %dma_start3A_70 = tpu.memref_slice %arg3[%add3A] : memref<320000xi32, #tpu.memory_space<hbm>> -> memref<10000xi32, #tpu.memory_space<hbm>>
      %dma_start3A_71 = tpu.memref_slice %arg3[%add3A] : memref<320000xi32, #tpu.memory_space<hbm>> -> memref<10000xi32, #tpu.memory_space<hbm>>
      tpu.enqueue_dma source(%dma_start3A_71 : memref<10000xi32, #tpu.memory_space<hbm>>) target(%arg7 : memref<10000xi32, #tpu.memory_space<vmem>>) target_semaphore(%run_scoped3A : memref<!tpu.dma_semaphore, #tpu.memory_space<semaphore_mem>>)
      %dma_wait3A_72 = tpu.memref_slice %arg3[%add3A] : memref<320000xi32, #tpu.memory_space<hbm>> -> memref<10000xi32, #tpu.memory_space<hbm>>
      %dma_wait3A_73 = tpu.memref_slice %arg3[%add3A] : memref<320000xi32, #tpu.memory_space<hbm>> -> memref<10000xi32, #tpu.memory_space<hbm>>
      tpu.wait_dma2 semaphore(%run_scoped3A : memref<!tpu.dma_semaphore, #tpu.memory_space<semaphore_mem>>) src(%dma_wait3A_73 : memref<10000xi32, #tpu.memory_space<hbm>>) dst(%arg7 : memref<10000xi32, #tpu.memory_space<vmem>>)
      tpu.yield
    }) : () -> ()
    %mul3A_7 = arith.constant 10000 : i32
    %mul3A_8 = arith.muli %arg1, %mul3A_7 : i32
    "tpu.region"() ({
      %run_scoped3A = tpu.sem_alloc : memref<!tpu.dma_semaphore, #tpu.memory_space<semaphore_mem>>
      %dma_start3A_70 = tpu.memref_slice %arg4[%mul3A_8] : memref<160000xi32, #tpu.memory_space<hbm>> -> memref<10000xi32, #tpu.memory_space<hbm>>
      %dma_start3A_71 = tpu.memref_slice %arg4[%mul3A_8] : memref<160000xi32, #tpu.memory_space<hbm>> -> memref<10000xi32, #tpu.memory_space<hbm>>
      tpu.enqueue_dma source(%dma_start3A_71 : memref<10000xi32, #tpu.memory_space<hbm>>) target(%arg8 : memref<10000xi32, #tpu.memory_space<vmem>>) target_semaphore(%run_scoped3A : memref<!tpu.dma_semaphore, #tpu.memory_space<semaphore_mem>>)
      %dma_wait3A_72 = tpu.memref_slice %arg4[%mul3A_8] : memref<160000xi32, #tpu.memory_space<hbm>> -> memref<10000xi32, #tpu.memory_space<hbm>>
      %dma_wait3A_73 = tpu.memref_slice %arg4[%mul3A_8] : memref<160000xi32, #tpu.memory_space<hbm>> -> memref<10000xi32, #tpu.memory_space<hbm>>
      tpu.wait_dma2 semaphore(%run_scoped3A : memref<!tpu.dma_semaphore, #tpu.memory_space<semaphore_mem>>) src(%dma_wait3A_73 : memref<10000xi32, #tpu.memory_space<hbm>>) dst(%arg8 : memref<10000xi32, #tpu.memory_space<vmem>>)
      tpu.yield
    }) : () -> ()
    %eq3A = arith.constant 15 : i32
    %eq3A_9 = arith.cmpi eq, %arg1, %eq3A : i32
    %convert_element_type3A = arith.extui %eq3A_9 : i1 to i32
    %cond3A = arith.constant 0 : i32
    %cond3A_10 = arith.cmpi ne, %convert_element_type3A, %cond3A : i32
    scf.if %cond3A_10 {
      "tpu.region"() ({
        %run_scoped3A = tpu.sem_alloc : memref<!tpu.dma_semaphore, #tpu.memory_space<semaphore_mem>>
        %dma_start3A_70 = arith.constant 9984 : i32
        %dma_start3A_71 = arith.constant 0 : i32
        %dma_start3A_72 = tpu.memref_slice %arg12[%dma_start3A_70, %dma_start3A_71] : memref<10000x128xf32, #tpu.memory_space<vmem_shared>> -> memref<16x128xf32, #tpu.memory_space<vmem_shared>>
        %dma_start3A_73 = arith.constant 9984 : i32
        %dma_start3A_74 = arith.constant 0 : i32
        %dma_start3A_75 = tpu.memref_slice %arg5[%dma_start3A_73, %dma_start3A_74] : memref<10000x128xf32, #tpu.memory_space<hbm>> -> memref<16x128xf32, #tpu.memory_space<hbm>>
        tpu.enqueue_dma source(%dma_start3A_75 : memref<16x128xf32, #tpu.memory_space<hbm>>) target(%dma_start3A_72 : memref<16x128xf32, #tpu.memory_space<vmem_shared>>) target_semaphore(%run_scoped3A : memref<!tpu.dma_semaphore, #tpu.memory_space<semaphore_mem>>)
        %dma_wait3A_76 = arith.constant 9984 : i32
        %dma_wait3A_77 = arith.constant 0 : i32
        %dma_wait3A_78 = tpu.memref_slice %arg12[%dma_wait3A_76, %dma_wait3A_77] : memref<10000x128xf32, #tpu.memory_space<vmem_shared>> -> memref<16x128xf32, #tpu.memory_space<vmem_shared>>
        %dma_wait3A_79 = arith.constant 9984 : i32
        %dma_wait3A_80 = arith.constant 0 : i32
        %dma_wait3A_81 = tpu.memref_slice %arg5[%dma_wait3A_79, %dma_wait3A_80] : memref<10000x128xf32, #tpu.memory_space<hbm>> -> memref<16x128xf32, #tpu.memory_space<hbm>>
        tpu.wait_dma2 semaphore(%run_scoped3A : memref<!tpu.dma_semaphore, #tpu.memory_space<semaphore_mem>>) src(%dma_wait3A_81 : memref<16x128xf32, #tpu.memory_space<hbm>>) dst(%dma_wait3A_78 : memref<16x128xf32, #tpu.memory_space<vmem_shared>>)
        tpu.yield
      }) : () -> ()
    } else {
    }
    %barrier3A = arith.constant 0 : index
    tpu.barrier barrier_id(%barrier3A)
    %dma_start3A = arith.constant 0 : i32
    %dma_start3A_11 = tpu.memref_slice %arg7[%dma_start3A] : memref<10000xi32, #tpu.memory_space<vmem>> -> memref<80xi32, #tpu.memory_space<vmem>>
    %dma_start3A_12 = arith.constant 0 : i32
    %dma_start3A_13 = arith.constant 0 : i32
    %dma_start3A_14 = tpu.memref_slice %arg2[%dma_start3A_12, %dma_start3A_13] : memref<20000x128xf32, #tpu.memory_space<hbm>> -> memref<20000x128xf32, #tpu.memory_space<hbm>>
    tpu.enqueue_indirect_dma source(%dma_start3A_14 : memref<20000x128xf32, #tpu.memory_space<hbm>>) target(%arg10 : memref<80x128xf32, #tpu.memory_space<vmem>>) offsets(%dma_start3A_11 : memref<80xi32, #tpu.memory_space<vmem>>) semaphore(%arg13 : memref<!tpu.dma_semaphore, #tpu.memory_space<semaphore_mem>>)
    %scan3A = arith.constant 0 : i32
    %scan3A_15 = arith.constant 0 : i32
    %scan3A_16 = arith.constant 62 : i32
    %scan3A_17 = arith.addi %scan3A_15, %scan3A_16 : i32
    %scan3A_18 = arith.constant 1 : i32
    scf.for %scan3A_70 = %scan3A_15 to %scan3A_17 step %scan3A_18  : i32 {
      %mul3A_71 = arith.constant 2 : i32
      %mul3A_72 = arith.muli %mul3A_71, %scan3A_70 : i32
      %add3A_73 = arith.constant 1 : i32
      %add3A_74 = arith.addi %mul3A_72, %add3A_73 : i32
      %mul3A_75 = arith.constant 80 : i32
      %mul3A_76 = arith.muli %add3A_74, %mul3A_75 : i32
      %dma_start3A_77 = tpu.memref_slice %arg7[%mul3A_76] : memref<10000xi32, #tpu.memory_space<vmem>> -> memref<80xi32, #tpu.memory_space<vmem>>
      %dma_start3A_78 = arith.constant 0 : i32
      %dma_start3A_79 = arith.constant 0 : i32
      %dma_start3A_80 = tpu.memref_slice %arg2[%dma_start3A_78, %dma_start3A_79] : memref<20000x128xf32, #tpu.memory_space<hbm>> -> memref<20000x128xf32, #tpu.memory_space<hbm>>
      tpu.enqueue_indirect_dma source(%dma_start3A_80 : memref<20000x128xf32, #tpu.memory_space<hbm>>) target(%arg11 : memref<80x128xf32, #tpu.memory_space<vmem>>) offsets(%dma_start3A_77 : memref<80xi32, #tpu.memory_space<vmem>>) semaphore(%arg13 : memref<!tpu.dma_semaphore, #tpu.memory_space<semaphore_mem>>)
      %dma_wait3A_81 = arith.constant 0 : i32
      %dma_wait3A_82 = tpu.memref_slice %arg7[%dma_wait3A_81] : memref<10000xi32, #tpu.memory_space<vmem>> -> memref<80xi32, #tpu.memory_space<vmem>>
      %dma_wait3A_83 = arith.constant 0 : i32
      %dma_wait3A_84 = arith.constant 0 : i32
      %dma_wait3A_85 = tpu.memref_slice %arg2[%dma_wait3A_83, %dma_wait3A_84] : memref<20000x128xf32, #tpu.memory_space<hbm>> -> memref<20000x128xf32, #tpu.memory_space<hbm>>
      tpu.wait_indirect_dma semaphore(%arg13 : memref<!tpu.dma_semaphore, #tpu.memory_space<semaphore_mem>>) src(%dma_wait3A_85 : memref<20000x128xf32, #tpu.memory_space<hbm>>) dst(%arg10 : memref<80x128xf32, #tpu.memory_space<vmem>>)
      %mul3A_86 = arith.constant 2 : i32
      %mul3A_87 = arith.muli %mul3A_86, %scan3A_70 : i32
      %mul3A_88 = arith.constant 80 : i32
      %mul3A_89 = arith.muli %mul3A_87, %mul3A_88 : i32
      %add3A_90 = arith.constant 0 : i32
      %add3A_91 = arith.addi %mul3A_89, %add3A_90 : i32
      %get3A_92 = arith.index_cast %add3A_91 : i32 to index
      %get3A_93 = tpu.vector_load %arg8[%get3A_92] {strides = array<i32>} : memref<10000xi32, #tpu.memory_space<vmem>>, vector<16xi32>,
      %get3A_94 = vector.shape_cast %get3A_93 : vector<16xi32> to vector<16xi32>
      %swap3A_95 = arith.constant 0 : index
      %swap3A_96 = tpu.vector_load %arg9[%swap3A_95] {strides = array<i32>} : memref<80xi32, #tpu.memory_space<vmem>>, vector<16xi32>,
      %swap3A_97 = vector.shape_cast %swap3A_96 : vector<16xi32> to vector<16xi32>
      %swap3A_98 = vector.shape_cast %get3A_94 : vector<16xi32> to vector<16xi32>
      tpu.vector_store %arg9[%swap3A_95], %swap3A_98 {strides = array<i32>} : memref<80xi32, #tpu.memory_space<vmem>>, vector<16xi32>,
      %mul3A_99 = arith.constant 80 : i32
      %mul3A_100 = arith.muli %mul3A_87, %mul3A_99 : i32
      %add3A_101 = arith.constant 16 : i32
      %add3A_102 = arith.addi %mul3A_100, %add3A_101 : i32
      %get3A_103 = arith.index_cast %add3A_102 : i32 to index
      %get3A_104 = tpu.vector_load %arg8[%get3A_103] {strides = array<i32>} : memref<10000xi32, #tpu.memory_space<vmem>>, vector<16xi32>,
      %get3A_105 = vector.shape_cast %get3A_104 : vector<16xi32> to vector<16xi32>
      %swap3A_106 = arith.constant 16 : index
      %swap3A_107 = tpu.vector_load %arg9[%swap3A_106] {strides = array<i32>} : memref<80xi32, #tpu.memory_space<vmem>>, vector<16xi32>,
      %swap3A_108 = vector.shape_cast %swap3A_107 : vector<16xi32> to vector<16xi32>
      %swap3A_109 = vector.shape_cast %get3A_105 : vector<16xi32> to vector<16xi32>
      tpu.vector_store %arg9[%swap3A_106], %swap3A_109 {strides = array<i32>} : memref<80xi32, #tpu.memory_space<vmem>>, vector<16xi32>,
      %mul3A_110 = arith.constant 80 : i32
      %mul3A_111 = arith.muli %mul3A_87, %mul3A_110 : i32
      %add3A_112 = arith.constant 32 : i32
      %add3A_113 = arith.addi %mul3A_111, %add3A_112 : i32
      %get3A_114 = arith.index_cast %add3A_113 : i32 to index
      %get3A_115 = tpu.vector_load %arg8[%get3A_114] {strides = array<i32>} : memref<10000xi32, #tpu.memory_space<vmem>>, vector<16xi32>,
      %get3A_116 = vector.shape_cast %get3A_115 : vector<16xi32> to vector<16xi32>
      %swap3A_117 = arith.constant 32 : index
      %swap3A_118 = tpu.vector_load %arg9[%swap3A_117] {strides = array<i32>} : memref<80xi32, #tpu.memory_space<vmem>>, vector<16xi32>,
      %swap3A_119 = vector.shape_cast %swap3A_118 : vector<16xi32> to vector<16xi32>
      %swap3A_120 = vector.shape_cast %get3A_116 : vector<16xi32> to vector<16xi32>
      tpu.vector_store %arg9[%swap3A_117], %swap3A_120 {strides = array<i32>} : memref<80xi32, #tpu.memory_space<vmem>>, vector<16xi32>,
      %mul3A_121 = arith.constant 80 : i32
      %mul3A_122 = arith.muli %mul3A_87, %mul3A_121 : i32
      %add3A_123 = arith.constant 48 : i32
      %add3A_124 = arith.addi %mul3A_122, %add3A_123 : i32
      %get3A_125 = arith.index_cast %add3A_124 : i32 to index
      %get3A_126 = tpu.vector_load %arg8[%get3A_125] {strides = array<i32>} : memref<10000xi32, #tpu.memory_space<vmem>>, vector<16xi32>,
      %get3A_127 = vector.shape_cast %get3A_126 : vector<16xi32> to vector<16xi32>
      %swap3A_128 = arith.constant 48 : index
      %swap3A_129 = tpu.vector_load %arg9[%swap3A_128] {strides = array<i32>} : memref<80xi32, #tpu.memory_space<vmem>>, vector<16xi32>,
      %swap3A_130 = vector.shape_cast %swap3A_129 : vector<16xi32> to vector<16xi32>
      %swap3A_131 = vector.shape_cast %get3A_127 : vector<16xi32> to vector<16xi32>
      tpu.vector_store %arg9[%swap3A_128], %swap3A_131 {strides = array<i32>} : memref<80xi32, #tpu.memory_space<vmem>>, vector<16xi32>,
      %mul3A_132 = arith.constant 80 : i32
      %mul3A_133 = arith.muli %mul3A_87, %mul3A_132 : i32
      %add3A_134 = arith.constant 64 : i32
      %add3A_135 = arith.addi %mul3A_133, %add3A_134 : i32
      %get3A_136 = arith.index_cast %add3A_135 : i32 to index
      %get3A_137 = tpu.vector_load %arg8[%get3A_136] {strides = array<i32>} : memref<10000xi32, #tpu.memory_space<vmem>>, vector<16xi32>,
      %get3A_138 = vector.shape_cast %get3A_137 : vector<16xi32> to vector<16xi32>
      %swap3A_139 = arith.constant 64 : index
      %swap3A_140 = tpu.vector_load %arg9[%swap3A_139] {strides = array<i32>} : memref<80xi32, #tpu.memory_space<vmem>>, vector<16xi32>,
      %swap3A_141 = vector.shape_cast %swap3A_140 : vector<16xi32> to vector<16xi32>
      %swap3A_142 = vector.shape_cast %get3A_138 : vector<16xi32> to vector<16xi32>
      tpu.vector_store %arg9[%swap3A_139], %swap3A_142 {strides = array<i32>} : memref<80xi32, #tpu.memory_space<vmem>>, vector<16xi32>,
      "tpu.region"() ({
        %run_scoped3A = tpu.sem_alloc : memref<!tpu.dma_semaphore, #tpu.memory_space<semaphore_mem>>
        %dma_start3A_217 = arith.constant 0 : i32
        %dma_start3A_218 = arith.constant 0 : i32
        %dma_start3A_219 = tpu.memref_slice %arg12[%dma_start3A_217, %dma_start3A_218] : memref<10000x128xf32, #tpu.memory_space<vmem_shared>> -> memref<10000x128xf32, #tpu.memory_space<vmem_shared>>
        tpu.enqueue_indirect_dma source(%arg10 : memref<80x128xf32, #tpu.memory_space<vmem>>) target(%dma_start3A_219 : memref<10000x128xf32, #tpu.memory_space<vmem_shared>>) offsets(%arg9 : memref<80xi32, #tpu.memory_space<vmem>>) semaphore(%run_scoped3A : memref<!tpu.dma_semaphore, #tpu.memory_space<semaphore_mem>>) {add = true}
        %dma_wait3A_220 = arith.constant 0 : i32
        %dma_wait3A_221 = arith.constant 0 : i32
        %dma_wait3A_222 = tpu.memref_slice %arg12[%dma_wait3A_220, %dma_wait3A_221] : memref<10000x128xf32, #tpu.memory_space<vmem_shared>> -> memref<10000x128xf32, #tpu.memory_space<vmem_shared>>
        tpu.wait_indirect_dma semaphore(%run_scoped3A : memref<!tpu.dma_semaphore, #tpu.memory_space<semaphore_mem>>) src(%arg10 : memref<80x128xf32, #tpu.memory_space<vmem>>) dst(%dma_wait3A_222 : memref<10000x128xf32, #tpu.memory_space<vmem_shared>>)
        tpu.yield
      }) : () -> ()
      %mul3A_143 = arith.constant 2 : i32
      %mul3A_144 = arith.muli %mul3A_143, %scan3A_70 : i32
      %add3A_145 = arith.constant 2 : i32
      %add3A_146 = arith.addi %mul3A_144, %add3A_145 : i32
      %mul3A_147 = arith.constant 80 : i32
      %mul3A_148 = arith.muli %add3A_146, %mul3A_147 : i32
      %dma_start3A_149 = tpu.memref_slice %arg7[%mul3A_148] : memref<10000xi32, #tpu.memory_space<vmem>> -> memref<80xi32, #tpu.memory_space<vmem>>
      %dma_start3A_150 = arith.constant 0 : i32
      %dma_start3A_151 = arith.constant 0 : i32
      %dma_start3A_152 = tpu.memref_slice %arg2[%dma_start3A_150, %dma_start3A_151] : memref<20000x128xf32, #tpu.memory_space<hbm>> -> memref<20000x128xf32, #tpu.memory_space<hbm>>
      tpu.enqueue_indirect_dma source(%dma_start3A_152 : memref<20000x128xf32, #tpu.memory_space<hbm>>) target(%arg10 : memref<80x128xf32, #tpu.memory_space<vmem>>) offsets(%dma_start3A_149 : memref<80xi32, #tpu.memory_space<vmem>>) semaphore(%arg13 : memref<!tpu.dma_semaphore, #tpu.memory_space<semaphore_mem>>)
      %dma_wait3A_153 = arith.constant 0 : i32
      %dma_wait3A_154 = tpu.memref_slice %arg7[%dma_wait3A_153] : memref<10000xi32, #tpu.memory_space<vmem>> -> memref<80xi32, #tpu.memory_space<vmem>>
      %dma_wait3A_155 = arith.constant 0 : i32
      %dma_wait3A_156 = arith.constant 0 : i32
      %dma_wait3A_157 = tpu.memref_slice %arg2[%dma_wait3A_155, %dma_wait3A_156] : memref<20000x128xf32, #tpu.memory_space<hbm>> -> memref<20000x128xf32, #tpu.memory_space<hbm>>
      tpu.wait_indirect_dma semaphore(%arg13 : memref<!tpu.dma_semaphore, #tpu.memory_space<semaphore_mem>>) src(%dma_wait3A_157 : memref<20000x128xf32, #tpu.memory_space<hbm>>) dst(%arg11 : memref<80x128xf32, #tpu.memory_space<vmem>>)
      %mul3A_158 = arith.constant 2 : i32
      %mul3A_159 = arith.muli %mul3A_158, %scan3A_70 : i32
      %add3A_160 = arith.constant 1 : i32
      %add3A_161 = arith.addi %mul3A_159, %add3A_160 : i32
      %mul3A_162 = arith.constant 80 : i32
      %mul3A_163 = arith.muli %add3A_161, %mul3A_162 : i32
      %add3A_164 = arith.constant 0 : i32
      %add3A_165 = arith.addi %mul3A_163, %add3A_164 : i32
      %get3A_166 = arith.index_cast %add3A_165 : i32 to index
      %get3A_167 = tpu.vector_load %arg8[%get3A_166] {strides = array<i32>} : memref<10000xi32, #tpu.memory_space<vmem>>, vector<16xi32>,
      %get3A_168 = vector.shape_cast %get3A_167 : vector<16xi32> to vector<16xi32>
      %swap3A_169 = arith.constant 0 : index
      %swap3A_170 = tpu.vector_load %arg9[%swap3A_169] {strides = array<i32>} : memref<80xi32, #tpu.memory_space<vmem>>, vector<16xi32>,
      %swap3A_171 = vector.shape_cast %swap3A_170 : vector<16xi32> to vector<16xi32>
      %swap3A_172 = vector.shape_cast %get3A_168 : vector<16xi32> to vector<16xi32>
      tpu.vector_store %arg9[%swap3A_169], %swap3A_172 {strides = array<i32>} : memref<80xi32, #tpu.memory_space<vmem>>, vector<16xi32>,
      %mul3A_173 = arith.constant 80 : i32
      %mul3A_174 = arith.muli %add3A_161, %mul3A_173 : i32
      %add3A_175 = arith.constant 16 : i32
      %add3A_176 = arith.addi %mul3A_174, %add3A_175 : i32
      %get3A_177 = arith.index_cast %add3A_176 : i32 to index
      %get3A_178 = tpu.vector_load %arg8[%get3A_177] {strides = array<i32>} : memref<10000xi32, #tpu.memory_space<vmem>>, vector<16xi32>,
      %get3A_179 = vector.shape_cast %get3A_178 : vector<16xi32> to vector<16xi32>
      %swap3A_180 = arith.constant 16 : index
      %swap3A_181 = tpu.vector_load %arg9[%swap3A_180] {strides = array<i32>} : memref<80xi32, #tpu.memory_space<vmem>>, vector<16xi32>,
      %swap3A_182 = vector.shape_cast %swap3A_181 : vector<16xi32> to vector<16xi32>
      %swap3A_183 = vector.shape_cast %get3A_179 : vector<16xi32> to vector<16xi32>
      tpu.vector_store %arg9[%swap3A_180], %swap3A_183 {strides = array<i32>} : memref<80xi32, #tpu.memory_space<vmem>>, vector<16xi32>,
      %mul3A_184 = arith.constant 80 : i32
      %mul3A_185 = arith.muli %add3A_161, %mul3A_184 : i32
      %add3A_186 = arith.constant 32 : i32
      %add3A_187 = arith.addi %mul3A_185, %add3A_186 : i32
      %get3A_188 = arith.index_cast %add3A_187 : i32 to index
      %get3A_189 = tpu.vector_load %arg8[%get3A_188] {strides = array<i32>} : memref<10000xi32, #tpu.memory_space<vmem>>, vector<16xi32>,
      %get3A_190 = vector.shape_cast %get3A_189 : vector<16xi32> to vector<16xi32>
      %swap3A_191 = arith.constant 32 : index
      %swap3A_192 = tpu.vector_load %arg9[%swap3A_191] {strides = array<i32>} : memref<80xi32, #tpu.memory_space<vmem>>, vector<16xi32>,
      %swap3A_193 = vector.shape_cast %swap3A_192 : vector<16xi32> to vector<16xi32>
      %swap3A_194 = vector.shape_cast %get3A_190 : vector<16xi32> to vector<16xi32>
      tpu.vector_store %arg9[%swap3A_191], %swap3A_194 {strides = array<i32>} : memref<80xi32, #tpu.memory_space<vmem>>, vector<16xi32>,
      %mul3A_195 = arith.constant 80 : i32
      %mul3A_196 = arith.muli %add3A_161, %mul3A_195 : i32
      %add3A_197 = arith.constant 48 : i32
      %add3A_198 = arith.addi %mul3A_196, %add3A_197 : i32
      %get3A_199 = arith.index_cast %add3A_198 : i32 to index
      %get3A_200 = tpu.vector_load %arg8[%get3A_199] {strides = array<i32>} : memref<10000xi32, #tpu.memory_space<vmem>>, vector<16xi32>,
      %get3A_201 = vector.shape_cast %get3A_200 : vector<16xi32> to vector<16xi32>
      %swap3A_202 = arith.constant 48 : index
      %swap3A_203 = tpu.vector_load %arg9[%swap3A_202] {strides = array<i32>} : memref<80xi32, #tpu.memory_space<vmem>>, vector<16xi32>,
      %swap3A_204 = vector.shape_cast %swap3A_203 : vector<16xi32> to vector<16xi32>
      %swap3A_205 = vector.shape_cast %get3A_201 : vector<16xi32> to vector<16xi32>
      tpu.vector_store %arg9[%swap3A_202], %swap3A_205 {strides = array<i32>} : memref<80xi32, #tpu.memory_space<vmem>>, vector<16xi32>,
      %mul3A_206 = arith.constant 80 : i32
      %mul3A_207 = arith.muli %add3A_161, %mul3A_206 : i32
      %add3A_208 = arith.constant 64 : i32
      %add3A_209 = arith.addi %mul3A_207, %add3A_208 : i32
      %get3A_210 = arith.index_cast %add3A_209 : i32 to index
      %get3A_211 = tpu.vector_load %arg8[%get3A_210] {strides = array<i32>} : memref<10000xi32, #tpu.memory_space<vmem>>, vector<16xi32>,
      %get3A_212 = vector.shape_cast %get3A_211 : vector<16xi32> to vector<16xi32>
      %swap3A_213 = arith.constant 64 : index
      %swap3A_214 = tpu.vector_load %arg9[%swap3A_213] {strides = array<i32>} : memref<80xi32, #tpu.memory_space<vmem>>, vector<16xi32>,
      %swap3A_215 = vector.shape_cast %swap3A_214 : vector<16xi32> to vector<16xi32>
      %swap3A_216 = vector.shape_cast %get3A_212 : vector<16xi32> to vector<16xi32>
      tpu.vector_store %arg9[%swap3A_213], %swap3A_216 {strides = array<i32>} : memref<80xi32, #tpu.memory_space<vmem>>, vector<16xi32>,
      "tpu.region"() ({
        %run_scoped3A = tpu.sem_alloc : memref<!tpu.dma_semaphore, #tpu.memory_space<semaphore_mem>>
        %dma_start3A_217 = arith.constant 0 : i32
        %dma_start3A_218 = arith.constant 0 : i32
        %dma_start3A_219 = tpu.memref_slice %arg12[%dma_start3A_217, %dma_start3A_218] : memref<10000x128xf32, #tpu.memory_space<vmem_shared>> -> memref<10000x128xf32, #tpu.memory_space<vmem_shared>>
        tpu.enqueue_indirect_dma source(%arg11 : memref<80x128xf32, #tpu.memory_space<vmem>>) target(%dma_start3A_219 : memref<10000x128xf32, #tpu.memory_space<vmem_shared>>) offsets(%arg9 : memref<80xi32, #tpu.memory_space<vmem>>) semaphore(%run_scoped3A : memref<!tpu.dma_semaphore, #tpu.memory_space<semaphore_mem>>) {add = true}
        %dma_wait3A_220 = arith.constant 0 : i32
        %dma_wait3A_221 = arith.constant 0 : i32
        %dma_wait3A_222 = tpu.memref_slice %arg12[%dma_wait3A_220, %dma_wait3A_221] : memref<10000x128xf32, #tpu.memory_space<vmem_shared>> -> memref<10000x128xf32, #tpu.memory_space<vmem_shared>>
        tpu.wait_indirect_dma semaphore(%run_scoped3A : memref<!tpu.dma_semaphore, #tpu.memory_space<semaphore_mem>>) src(%arg11 : memref<80x128xf32, #tpu.memory_space<vmem>>) dst(%dma_wait3A_222 : memref<10000x128xf32, #tpu.memory_space<vmem_shared>>)
        tpu.yield
      }) : () -> ()
    }
    %scan3A_19 = arith.constant 62 : i32
    %dma_wait3A = arith.constant 0 : i32
    %dma_wait3A_20 = tpu.memref_slice %arg7[%dma_wait3A] : memref<10000xi32, #tpu.memory_space<vmem>> -> memref<80xi32, #tpu.memory_space<vmem>>
    %dma_wait3A_21 = arith.constant 0 : i32
    %dma_wait3A_22 = arith.constant 0 : i32
    %dma_wait3A_23 = tpu.memref_slice %arg2[%dma_wait3A_21, %dma_wait3A_22] : memref<20000x128xf32, #tpu.memory_space<hbm>> -> memref<20000x128xf32, #tpu.memory_space<hbm>>
    tpu.wait_indirect_dma semaphore(%arg13 : memref<!tpu.dma_semaphore, #tpu.memory_space<semaphore_mem>>) src(%dma_wait3A_23 : memref<20000x128xf32, #tpu.memory_space<hbm>>) dst(%arg10 : memref<80x128xf32, #tpu.memory_space<vmem>>)
    %get3A = arith.constant 9920 : index
    %get3A_24 = tpu.vector_load %arg8[%get3A] {strides = array<i32>} : memref<10000xi32, #tpu.memory_space<vmem>>, vector<16xi32>,
    %get3A_25 = vector.shape_cast %get3A_24 : vector<16xi32> to vector<16xi32>
    %swap3A = arith.constant 0 : index
    %swap3A_26 = tpu.vector_load %arg9[%swap3A] {strides = array<i32>} : memref<80xi32, #tpu.memory_space<vmem>>, vector<16xi32>,
    %swap3A_27 = vector.shape_cast %swap3A_26 : vector<16xi32> to vector<16xi32>
    %swap3A_28 = vector.shape_cast %get3A_25 : vector<16xi32> to vector<16xi32>
    tpu.vector_store %arg9[%swap3A], %swap3A_28 {strides = array<i32>} : memref<80xi32, #tpu.memory_space<vmem>>, vector<16xi32>,
    %get3A_29 = arith.constant 9936 : index
    %get3A_30 = tpu.vector_load %arg8[%get3A_29] {strides = array<i32>} : memref<10000xi32, #tpu.memory_space<vmem>>, vector<16xi32>,
    %get3A_31 = vector.shape_cast %get3A_30 : vector<16xi32> to vector<16xi32>
    %swap3A_32 = arith.constant 16 : index
    %swap3A_33 = tpu.vector_load %arg9[%swap3A_32] {strides = array<i32>} : memref<80xi32, #tpu.memory_space<vmem>>, vector<16xi32>,
    %swap3A_34 = vector.shape_cast %swap3A_33 : vector<16xi32> to vector<16xi32>
    %swap3A_35 = vector.shape_cast %get3A_31 : vector<16xi32> to vector<16xi32>
    tpu.vector_store %arg9[%swap3A_32], %swap3A_35 {strides = array<i32>} : memref<80xi32, #tpu.memory_space<vmem>>, vector<16xi32>,
    %get3A_36 = arith.constant 9952 : index
    %get3A_37 = tpu.vector_load %arg8[%get3A_36] {strides = array<i32>} : memref<10000xi32, #tpu.memory_space<vmem>>, vector<16xi32>,
    %get3A_38 = vector.shape_cast %get3A_37 : vector<16xi32> to vector<16xi32>
    %swap3A_39 = arith.constant 32 : index
    %swap3A_40 = tpu.vector_load %arg9[%swap3A_39] {strides = array<i32>} : memref<80xi32, #tpu.memory_space<vmem>>, vector<16xi32>,
    %swap3A_41 = vector.shape_cast %swap3A_40 : vector<16xi32> to vector<16xi32>
    %swap3A_42 = vector.shape_cast %get3A_38 : vector<16xi32> to vector<16xi32>
    tpu.vector_store %arg9[%swap3A_39], %swap3A_42 {strides = array<i32>} : memref<80xi32, #tpu.memory_space<vmem>>, vector<16xi32>,
    %get3A_43 = arith.constant 9968 : index
    %get3A_44 = tpu.vector_load %arg8[%get3A_43] {strides = array<i32>} : memref<10000xi32, #tpu.memory_space<vmem>>, vector<16xi32>,
    %get3A_45 = vector.shape_cast %get3A_44 : vector<16xi32> to vector<16xi32>
    %swap3A_46 = arith.constant 48 : index
    %swap3A_47 = tpu.vector_load %arg9[%swap3A_46] {strides = array<i32>} : memref<80xi32, #tpu.memory_space<vmem>>, vector<16xi32>,
    %swap3A_48 = vector.shape_cast %swap3A_47 : vector<16xi32> to vector<16xi32>
    %swap3A_49 = vector.shape_cast %get3A_45 : vector<16xi32> to vector<16xi32>
    tpu.vector_store %arg9[%swap3A_46], %swap3A_49 {strides = array<i32>} : memref<80xi32, #tpu.memory_space<vmem>>, vector<16xi32>,
    %get3A_50 = arith.constant 9984 : index
    %get3A_51 = tpu.vector_load %arg8[%get3A_50] {strides = array<i32>} : memref<10000xi32, #tpu.memory_space<vmem>>, vector<16xi32>,
    %get3A_52 = vector.shape_cast %get3A_51 : vector<16xi32> to vector<16xi32>
    %swap3A_53 = arith.constant 64 : index
    %swap3A_54 = tpu.vector_load %arg9[%swap3A_53] {strides = array<i32>} : memref<80xi32, #tpu.memory_space<vmem>>, vector<16xi32>,
    %swap3A_55 = vector.shape_cast %swap3A_54 : vector<16xi32> to vector<16xi32>
    %swap3A_56 = vector.shape_cast %get3A_52 : vector<16xi32> to vector<16xi32>
    tpu.vector_store %arg9[%swap3A_53], %swap3A_56 {strides = array<i32>} : memref<80xi32, #tpu.memory_space<vmem>>, vector<16xi32>,
    "tpu.region"() ({
      %run_scoped3A = tpu.sem_alloc : memref<!tpu.dma_semaphore, #tpu.memory_space<semaphore_mem>>
      %dma_start3A_70 = arith.constant 0 : i32
      %dma_start3A_71 = arith.constant 0 : i32
      %dma_start3A_72 = tpu.memref_slice %arg12[%dma_start3A_70, %dma_start3A_71] : memref<10000x128xf32, #tpu.memory_space<vmem_shared>> -> memref<10000x128xf32, #tpu.memory_space<vmem_shared>>
      tpu.enqueue_indirect_dma source(%arg10 : memref<80x128xf32, #tpu.memory_space<vmem>>) target(%dma_start3A_72 : memref<10000x128xf32, #tpu.memory_space<vmem_shared>>) offsets(%arg9 : memref<80xi32, #tpu.memory_space<vmem>>) semaphore(%run_scoped3A : memref<!tpu.dma_semaphore, #tpu.memory_space<semaphore_mem>>) {add = true}
      %dma_wait3A_73 = arith.constant 0 : i32
      %dma_wait3A_74 = arith.constant 0 : i32
      %dma_wait3A_75 = tpu.memref_slice %arg12[%dma_wait3A_73, %dma_wait3A_74] : memref<10000x128xf32, #tpu.memory_space<vmem_shared>> -> memref<10000x128xf32, #tpu.memory_space<vmem_shared>>
      tpu.wait_indirect_dma semaphore(%run_scoped3A : memref<!tpu.dma_semaphore, #tpu.memory_space<semaphore_mem>>) src(%arg10 : memref<80x128xf32, #tpu.memory_space<vmem>>) dst(%dma_wait3A_75 : memref<10000x128xf32, #tpu.memory_space<vmem_shared>>)
      tpu.yield
    }) : () -> ()
    %barrier3A_57 = arith.constant 0 : index
    tpu.barrier barrier_id(%barrier3A_57)
    %mul3A_58 = arith.constant 624 : i32
    %mul3A_59 = arith.muli %arg1, %mul3A_58 : i32
    %mul3A_60 = arith.constant 10000 : i32
    %mul3A_61 = arith.muli %arg0, %mul3A_60 : i32
    %mul3A_62 = arith.constant 624 : i32
    %mul3A_63 = arith.muli %arg1, %mul3A_62 : i32
    %add3A_64 = arith.addi %mul3A_61, %mul3A_63 : i32
    "tpu.region"() ({
      %run_scoped3A = tpu.sem_alloc : memref<!tpu.dma_semaphore, #tpu.memory_space<semaphore_mem>>
      %dma_start3A_70 = arith.constant 0 : i32
      %dma_start3A_71 = tpu.memref_slice %arg6[%add3A_64, %dma_start3A_70] : memref<20000x128xf32, #tpu.memory_space<hbm>> -> memref<624x128xf32, #tpu.memory_space<hbm>>
      %dma_start3A_72 = arith.constant 0 : i32
      %dma_start3A_73 = tpu.memref_slice %arg12[%mul3A_59, %dma_start3A_72] : memref<10000x128xf32, #tpu.memory_space<vmem_shared>> -> memref<624x128xf32, #tpu.memory_space<vmem_shared>>
      tpu.enqueue_dma source(%dma_start3A_73 : memref<624x128xf32, #tpu.memory_space<vmem_shared>>) target(%dma_start3A_71 : memref<624x128xf32, #tpu.memory_space<hbm>>) target_semaphore(%run_scoped3A : memref<!tpu.dma_semaphore, #tpu.memory_space<semaphore_mem>>)
      %dma_wait3A_74 = arith.constant 0 : i32
      %dma_wait3A_75 = tpu.memref_slice %arg6[%add3A_64, %dma_wait3A_74] : memref<20000x128xf32, #tpu.memory_space<hbm>> -> memref<624x128xf32, #tpu.memory_space<hbm>>
      %dma_wait3A_76 = arith.constant 0 : i32
      %dma_wait3A_77 = tpu.memref_slice %arg12[%mul3A_59, %dma_wait3A_76] : memref<10000x128xf32, #tpu.memory_space<vmem_shared>> -> memref<624x128xf32, #tpu.memory_space<vmem_shared>>
      tpu.wait_dma2 semaphore(%run_scoped3A : memref<!tpu.dma_semaphore, #tpu.memory_space<semaphore_mem>>) src(%dma_wait3A_77 : memref<624x128xf32, #tpu.memory_space<vmem_shared>>) dst(%dma_wait3A_75 : memref<624x128xf32, #tpu.memory_space<hbm>>)
      tpu.yield
    }) : () -> ()
    %eq3A_65 = arith.constant 15 : i32
    %eq3A_66 = arith.cmpi eq, %arg1, %eq3A_65 : i32
    %convert_element_type3A_67 = arith.extui %eq3A_66 : i1 to i32
    %cond3A_68 = arith.constant 0 : i32
    %cond3A_69 = arith.cmpi ne, %convert_element_type3A_67, %cond3A_68 : i32
    scf.if %cond3A_69 {
      %mul3A_70 = arith.constant 10000 : i32
      %mul3A_71 = arith.muli %arg0, %mul3A_70 : i32
      %add3A_72 = arith.constant 9984 : i32
      %add3A_73 = arith.addi %mul3A_71, %add3A_72 : i32
      "tpu.region"() ({
        %run_scoped3A = tpu.sem_alloc : memref<!tpu.dma_semaphore, #tpu.memory_space<semaphore_mem>>
        %dma_start3A_74 = arith.constant 0 : i32
        %dma_start3A_75 = tpu.memref_slice %arg6[%add3A_73, %dma_start3A_74] : memref<20000x128xf32, #tpu.memory_space<hbm>> -> memref<16x128xf32, #tpu.memory_space<hbm>>
        %dma_start3A_76 = arith.constant 9984 : i32
        %dma_start3A_77 = arith.constant 0 : i32
        %dma_start3A_78 = tpu.memref_slice %arg12[%dma_start3A_76, %dma_start3A_77] : memref<10000x128xf32, #tpu.memory_space<vmem_shared>> -> memref<16x128xf32, #tpu.memory_space<vmem_shared>>
        tpu.enqueue_dma source(%dma_start3A_78 : memref<16x128xf32, #tpu.memory_space<vmem_shared>>) target(%dma_start3A_75 : memref<16x128xf32, #tpu.memory_space<hbm>>) target_semaphore(%run_scoped3A : memref<!tpu.dma_semaphore, #tpu.memory_space<semaphore_mem>>)
        %dma_wait3A_79 = arith.constant 0 : i32
        %dma_wait3A_80 = tpu.memref_slice %arg6[%add3A_73, %dma_wait3A_79] : memref<20000x128xf32, #tpu.memory_space<hbm>> -> memref<16x128xf32, #tpu.memory_space<hbm>>
        %dma_wait3A_81 = arith.constant 9984 : i32
        %dma_wait3A_82 = arith.constant 0 : i32
        %dma_wait3A_83 = tpu.memref_slice %arg12[%dma_wait3A_81, %dma_wait3A_82] : memref<10000x128xf32, #tpu.memory_space<vmem_shared>> -> memref<16x128xf32, #tpu.memory_space<vmem_shared>>
        tpu.wait_dma2 semaphore(%run_scoped3A : memref<!tpu.dma_semaphore, #tpu.memory_space<semaphore_mem>>) src(%dma_wait3A_83 : memref<16x128xf32, #tpu.memory_space<vmem_shared>>) dst(%dma_wait3A_80 : memref<16x128xf32, #tpu.memory_space<hbm>>)
        tpu.yield
      }) : () -> ()
    } else {
    }
    return
  }
}

module attributes {stable_mosaic.version = 14 : i64} {
  func.func @_fuse_body(%arg0: i32, %arg1: memref<400x64xf32, #tpu.memory_space<vmem>>, %arg2: memref<400x128xf32, #tpu.memory_space<vmem>>, %arg3: memref<400x1xf32, #tpu.memory_space<vmem>>, %arg4: memref<1x64xf32, #tpu.memory_space<vmem>>, %arg5: memref<1x64xf32, #tpu.memory_space<vmem>>, %arg6: memref<1x64xf32, #tpu.memory_space<vmem>>, %arg7: memref<1x64xf32, #tpu.memory_space<vmem>>, %arg8: memref<128x64xf32, #tpu.memory_space<vmem>>, %arg9: memref<1x64xf32, #tpu.memory_space<vmem>>, %arg10: memref<64x32xf32, #tpu.memory_space<vmem>>, %arg11: memref<1x32xf32, #tpu.memory_space<vmem>>, %arg12: memref<400x128xf32, #tpu.memory_space<vmem>>, %arg13: memref<400x1xf32, #tpu.memory_space<vmem>>) attributes {dimension_semantics = [#tpu.dimension_semantics<arbitrary>], iteration_bounds = array<i64: 50>, scalar_prefetch = 0 : i64, scratch_operands = 0 : i64, tpu.core_type = #tpu.core_type<tc>, window_params = [{transform_indices = @transform_0, window_bounds = array<i64: 400, 64>}, {transform_indices = @transform_1, window_bounds = array<i64: 400, 128>}, {transform_indices = @transform_2, window_bounds = array<i64: 400, 1>}, {pipeline_mode = #tpu.pipeline_mode<synchronous>, transform_indices = @transform_3, window_bounds = array<i64: 1, 64>}, {pipeline_mode = #tpu.pipeline_mode<synchronous>, transform_indices = @transform_4, window_bounds = array<i64: 1, 64>}, {pipeline_mode = #tpu.pipeline_mode<synchronous>, transform_indices = @transform_5, window_bounds = array<i64: 1, 64>}, {pipeline_mode = #tpu.pipeline_mode<synchronous>, transform_indices = @transform_6, window_bounds = array<i64: 1, 64>}, {pipeline_mode = #tpu.pipeline_mode<synchronous>, transform_indices = @transform_7, window_bounds = array<i64: 128, 64>}, {pipeline_mode = #tpu.pipeline_mode<synchronous>, transform_indices = @transform_8, window_bounds = array<i64: 1, 64>}, {pipeline_mode = #tpu.pipeline_mode<synchronous>, transform_indices = @transform_9, window_bounds = array<i64: 64, 32>}, {pipeline_mode = #tpu.pipeline_mode<synchronous>, transform_indices = @transform_10, window_bounds = array<i64: 1, 32>}, {transform_indices = @transform_11, window_bounds = array<i64: 400, 128>}, {transform_indices = @transform_12, window_bounds = array<i64: 400, 1>}]} {
    %get3A = arith.constant 0 : index
    %get3A_0 = arith.constant 0 : index
    %get3A_1 = vector.load %arg1[%get3A, %get3A_0] : memref<400x64xf32, #tpu.memory_space<vmem>>, vector<400x64xf32>
    %broadcast_in_dim3A = arith.constant 0.000000e+00 : f32
    %broadcast_in_dim3A_2 = vector.broadcast %broadcast_in_dim3A : f32 to vector<400x1xf32>
    %slice3A = vector.extract_strided_slice %get3A_1 {offsets = [0, 0], sizes = [400, 63], strides = [1, 1]} : vector<400x64xf32> to vector<400x63xf32>
    %concatenate3A = tpu.concatenate %broadcast_in_dim3A_2, %slice3A in 1 : vector<400x1xf32>, vector<400x63xf32> -> vector<400x64xf32>
    %slice3A_3 = vector.extract_strided_slice %get3A_1 {offsets = [0, 1], sizes = [400, 63], strides = [1, 1]} : vector<400x64xf32> to vector<400x63xf32>
    %concatenate3A_4 = tpu.concatenate %slice3A_3, %broadcast_in_dim3A_2 in 1 : vector<400x63xf32>, vector<400x1xf32> -> vector<400x64xf32>
    %broadcast_in_dim3A_5 = vector.shape_cast %concatenate3A : vector<400x64xf32> to vector<400x64x1xf32>
    %get3A_6 = arith.constant 0 : index
    %get3A_7 = arith.constant 0 : index
    %get3A_8 = vector.load %arg4[%get3A_6, %get3A_7] : memref<1x64xf32, #tpu.memory_space<vmem>>, vector<1x64xf32>
    %squeeze3A = vector.shape_cast %get3A_8 : vector<1x64xf32> to vector<64xf32>
    %broadcast_in_dim3A_9 = vector.shape_cast %squeeze3A : vector<64xf32> to vector<1x1x64xf32>
    %mul3A = vector.broadcast %broadcast_in_dim3A_5 : vector<400x64x1xf32> to vector<400x64x64xf32>
    %mul3A_10 = vector.broadcast %broadcast_in_dim3A_9 : vector<1x1x64xf32> to vector<400x64x64xf32>
    %mul3A_11 = arith.mulf %mul3A, %mul3A_10 : vector<400x64x64xf32>
    %broadcast_in_dim3A_12 = vector.shape_cast %get3A_1 : vector<400x64xf32> to vector<400x64x1xf32>
    %get3A_13 = arith.constant 0 : index
    %get3A_14 = arith.constant 0 : index
    %get3A_15 = vector.load %arg5[%get3A_13, %get3A_14] : memref<1x64xf32, #tpu.memory_space<vmem>>, vector<1x64xf32>
    %squeeze3A_16 = vector.shape_cast %get3A_15 : vector<1x64xf32> to vector<64xf32>
    %broadcast_in_dim3A_17 = vector.shape_cast %squeeze3A_16 : vector<64xf32> to vector<1x1x64xf32>
    %mul3A_18 = vector.broadcast %broadcast_in_dim3A_12 : vector<400x64x1xf32> to vector<400x64x64xf32>
    %mul3A_19 = vector.broadcast %broadcast_in_dim3A_17 : vector<1x1x64xf32> to vector<400x64x64xf32>
    %mul3A_20 = arith.mulf %mul3A_18, %mul3A_19 : vector<400x64x64xf32>
    %add3A = arith.addf %mul3A_11, %mul3A_20 : vector<400x64x64xf32>
    %broadcast_in_dim3A_21 = vector.shape_cast %concatenate3A_4 : vector<400x64xf32> to vector<400x64x1xf32>
    %get3A_22 = arith.constant 0 : index
    %get3A_23 = arith.constant 0 : index
    %get3A_24 = vector.load %arg6[%get3A_22, %get3A_23] : memref<1x64xf32, #tpu.memory_space<vmem>>, vector<1x64xf32>
    %squeeze3A_25 = vector.shape_cast %get3A_24 : vector<1x64xf32> to vector<64xf32>
    %broadcast_in_dim3A_26 = vector.shape_cast %squeeze3A_25 : vector<64xf32> to vector<1x1x64xf32>
    %mul3A_27 = vector.broadcast %broadcast_in_dim3A_21 : vector<400x64x1xf32> to vector<400x64x64xf32>
    %mul3A_28 = vector.broadcast %broadcast_in_dim3A_26 : vector<1x1x64xf32> to vector<400x64x64xf32>
    %mul3A_29 = arith.mulf %mul3A_27, %mul3A_28 : vector<400x64x64xf32>
    %add3A_30 = arith.addf %add3A, %mul3A_29 : vector<400x64x64xf32>
    %get3A_31 = arith.constant 0 : index
    %get3A_32 = arith.constant 0 : index
    %get3A_33 = vector.load %arg7[%get3A_31, %get3A_32] : memref<1x64xf32, #tpu.memory_space<vmem>>, vector<1x64xf32>
    %squeeze3A_34 = vector.shape_cast %get3A_33 : vector<1x64xf32> to vector<64xf32>
    %broadcast_in_dim3A_35 = vector.shape_cast %squeeze3A_34 : vector<64xf32> to vector<1x1x64xf32>
    %add3A_36 = vector.broadcast %broadcast_in_dim3A_35 : vector<1x1x64xf32> to vector<400x64x64xf32>
    %add3A_37 = arith.addf %add3A_30, %add3A_36 : vector<400x64x64xf32>
    %max3A = arith.constant 0.000000e+00 : f32
    %max3A_38 = vector.broadcast %max3A : f32 to vector<400x64x64xf32>
    %max3A_39 = arith.maximumf %add3A_37, %max3A_38 : vector<400x64x64xf32>
    %reduce_sum3A = arith.constant dense<0.000000e+00> : vector<400x64xf32>
    %reduce_sum3A_40 = vector.multi_reduction <add>, %max3A_39, %reduce_sum3A [1] : vector<400x64x64xf32> to vector<400x64xf32>
    %div3A = arith.constant 6.400000e+01 : f32
    %div3A_41 = vector.broadcast %div3A : f32 to vector<400x64xf32>
    %div3A_42 = arith.divf %reduce_sum3A_40, %div3A_41 : vector<400x64xf32>
    %get3A_43 = arith.constant 0 : index
    %get3A_44 = arith.constant 0 : index
    %get3A_45 = vector.load %arg2[%get3A_43, %get3A_44] : memref<400x128xf32, #tpu.memory_space<vmem>>, vector<400x128xf32>
    %get3A_46 = arith.constant 0 : index
    %get3A_47 = arith.constant 0 : index
    %get3A_48 = vector.load %arg8[%get3A_46, %get3A_47] : memref<128x64xf32, #tpu.memory_space<vmem>>, vector<128x64xf32>
    %dot_general3A = arith.constant dense<0.000000e+00> : vector<400x64xf32>
    %dot_general3A_49 = tpu.matmul %get3A_45, %get3A_48, %dot_general3A {dimension_numbers = #tpu.dot_dimension_numbers<[1], [0], [0], [1], [0, 0, 1, 1], [], []>, precision = #tpu.contract_precision<fp32>, transpose_lhs_hint = false} : vector<400x128xf32>, vector<128x64xf32>, vector<400x64xf32> -> vector<400x64xf32>
    %get3A_50 = arith.constant 0 : index
    %get3A_51 = arith.constant 0 : index
    %get3A_52 = vector.load %arg9[%get3A_50, %get3A_51] : memref<1x64xf32, #tpu.memory_space<vmem>>, vector<1x64xf32>
    %add3A_53 = vector.broadcast %get3A_52 : vector<1x64xf32> to vector<400x64xf32>
    %add3A_54 = arith.addf %dot_general3A_49, %add3A_53 : vector<400x64xf32>
    %max3A_55 = arith.constant 0.000000e+00 : f32
    %max3A_56 = vector.broadcast %max3A_55 : f32 to vector<400x64xf32>
    %max3A_57 = arith.maximumf %add3A_54, %max3A_56 : vector<400x64xf32>
    %get3A_58 = arith.constant 0 : index
    %get3A_59 = arith.constant 0 : index
    %get3A_60 = vector.load %arg10[%get3A_58, %get3A_59] : memref<64x32xf32, #tpu.memory_space<vmem>>, vector<64x32xf32>
    %dot_general3A_61 = arith.constant dense<0.000000e+00> : vector<400x32xf32>
    %dot_general3A_62 = tpu.matmul %max3A_57, %get3A_60, %dot_general3A_61 {dimension_numbers = #tpu.dot_dimension_numbers<[1], [0], [0], [1], [0, 0, 1, 1], [], []>, precision = #tpu.contract_precision<fp32>, transpose_lhs_hint = false} : vector<400x64xf32>, vector<64x32xf32>, vector<400x32xf32> -> vector<400x32xf32>
    %get3A_63 = arith.constant 0 : index
    %get3A_64 = arith.constant 0 : index
    %get3A_65 = vector.load %arg11[%get3A_63, %get3A_64] : memref<1x32xf32, #tpu.memory_space<vmem>>, vector<1x32xf32>
    %add3A_66 = vector.broadcast %get3A_65 : vector<1x32xf32> to vector<400x32xf32>
    %add3A_67 = arith.addf %dot_general3A_62, %add3A_66 : vector<400x32xf32>
    %get3A_68 = arith.constant 0 : index
    %get3A_69 = arith.constant 0 : index
    %get3A_70 = vector.load %arg3[%get3A_68, %get3A_69] : memref<400x1xf32, #tpu.memory_space<vmem>>, vector<400x1xf32>
    %rsqrt3A = math.rsqrt %get3A_70 : vector<400x1xf32>
    %iota3A = tpu.iota {dimensions = array<i32: 1>} : vector<400x16xi32>
    %eq3A = arith.constant 0 : i32
    %eq3A_71 = vector.broadcast %eq3A : i32 to vector<400x16xi32>
    %eq3A_72 = arith.cmpi eq, %iota3A, %eq3A_71 : vector<400x16xi32>
    %jit3A = arith.constant 0.000000e+00 : f32
    %broadcast_in_dim3A_73 = vector.shape_cast %rsqrt3A : vector<400x1xf32> to vector<400x1xf32>
    %broadcast_in_dim3A_74 = vector.broadcast %broadcast_in_dim3A_73 : vector<400x1xf32> to vector<400x16xf32>
    %broadcast_in_dim3A_75 = vector.broadcast %jit3A : f32 to vector<400x16xf32>
    %select_n3A = arith.select %eq3A_72, %broadcast_in_dim3A_74, %broadcast_in_dim3A_75 : vector<400x16xi1>, vector<400x16xf32>
    %swap3A = arith.constant 0 : index
    %swap3A_76 = arith.constant 0 : index
    %swap3A_77 = vector.load %arg12[%swap3A, %swap3A_76] : memref<400x128xf32, #tpu.memory_space<vmem>>, vector<400x16xf32>
    tpu.vector_store %arg12[%swap3A, %swap3A_76], %select_n3A {strides = array<i32>} : memref<400x128xf32, #tpu.memory_space<vmem>>, vector<400x16xf32>,
    %mul3A_78 = vector.broadcast %rsqrt3A : vector<400x1xf32> to vector<400x64xf32>
    %mul3A_79 = arith.mulf %div3A_42, %mul3A_78 : vector<400x64xf32>
    %swap3A_80 = arith.constant 0 : index
    %swap3A_81 = arith.constant 16 : index
    %swap3A_82 = vector.load %arg12[%swap3A_80, %swap3A_81] : memref<400x128xf32, #tpu.memory_space<vmem>>, vector<400x64xf32>
    tpu.vector_store %arg12[%swap3A_80, %swap3A_81], %mul3A_79 {strides = array<i32>} : memref<400x128xf32, #tpu.memory_space<vmem>>, vector<400x64xf32>,
    %mul3A_83 = vector.broadcast %rsqrt3A : vector<400x1xf32> to vector<400x32xf32>
    %mul3A_84 = arith.mulf %add3A_67, %mul3A_83 : vector<400x32xf32>
    %swap3A_85 = arith.constant 0 : index
    %swap3A_86 = arith.constant 80 : index
    %swap3A_87 = vector.load %arg12[%swap3A_85, %swap3A_86] : memref<400x128xf32, #tpu.memory_space<vmem>>, vector<400x32xf32>
    tpu.vector_store %arg12[%swap3A_85, %swap3A_86], %mul3A_84 {strides = array<i32>} : memref<400x128xf32, #tpu.memory_space<vmem>>, vector<400x32xf32>,
    %broadcast_in_dim3A_88 = arith.constant 0.000000e+00 : f32
    %broadcast_in_dim3A_89 = vector.broadcast %broadcast_in_dim3A_88 : f32 to vector<400x16xf32>
    %swap3A_90 = arith.constant 0 : index
    %swap3A_91 = arith.constant 112 : index
    %swap3A_92 = vector.load %arg12[%swap3A_90, %swap3A_91] : memref<400x128xf32, #tpu.memory_space<vmem>>, vector<400x16xf32>
    tpu.vector_store %arg12[%swap3A_90, %swap3A_91], %broadcast_in_dim3A_89 {strides = array<i32>} : memref<400x128xf32, #tpu.memory_space<vmem>>, vector<400x16xf32>,
    %swap3A_93 = arith.constant 0 : index
    %swap3A_94 = arith.constant 0 : index
    %swap3A_95 = vector.load %arg13[%swap3A_93, %swap3A_94] : memref<400x1xf32, #tpu.memory_space<vmem>>, vector<400x1xf32>
    tpu.vector_store %arg13[%swap3A_93, %swap3A_94], %rsqrt3A {strides = array<i32>} : memref<400x1xf32, #tpu.memory_space<vmem>>, vector<400x1xf32>,
    return
  }
  func.func @transform_0(%arg0: i32) -> (i32, i32) {
    %c0_i32 = arith.constant 0 : i32
    %c0_i32_0 = arith.constant 0 : i32
    return %arg0, %c0_i32 : i32, i32
  }
  func.func @transform_1(%arg0: i32) -> (i32, i32) {
    %c0_i32 = arith.constant 0 : i32
    %c0_i32_0 = arith.constant 0 : i32
    return %arg0, %c0_i32 : i32, i32
  }
  func.func @transform_2(%arg0: i32) -> (i32, i32) {
    %c0_i32 = arith.constant 0 : i32
    %c0_i32_0 = arith.constant 0 : i32
    return %arg0, %c0_i32 : i32, i32
  }
  func.func @transform_3(%arg0: i32) -> (i32, i32) {
    %c0_i32 = arith.constant 0 : i32
    %c0_i32_0 = arith.constant 0 : i32
    %c0_i32_1 = arith.constant 0 : i32
    return %c0_i32, %c0_i32_0 : i32, i32
  }
  func.func @transform_4(%arg0: i32) -> (i32, i32) {
    %c0_i32 = arith.constant 0 : i32
    %c0_i32_0 = arith.constant 0 : i32
    %c0_i32_1 = arith.constant 0 : i32
    return %c0_i32, %c0_i32_0 : i32, i32
  }
  func.func @transform_5(%arg0: i32) -> (i32, i32) {
    %c0_i32 = arith.constant 0 : i32
    %c0_i32_0 = arith.constant 0 : i32
    %c0_i32_1 = arith.constant 0 : i32
    return %c0_i32, %c0_i32_0 : i32, i32
  }
  func.func @transform_6(%arg0: i32) -> (i32, i32) {
    %c0_i32 = arith.constant 0 : i32
    %c0_i32_0 = arith.constant 0 : i32
    %c0_i32_1 = arith.constant 0 : i32
    return %c0_i32, %c0_i32_0 : i32, i32
  }
  func.func @transform_7(%arg0: i32) -> (i32, i32) {
    %c0_i32 = arith.constant 0 : i32
    %c0_i32_0 = arith.constant 0 : i32
    %c0_i32_1 = arith.constant 0 : i32
    return %c0_i32, %c0_i32_0 : i32, i32
  }
  func.func @transform_8(%arg0: i32) -> (i32, i32) {
    %c0_i32 = arith.constant 0 : i32
    %c0_i32_0 = arith.constant 0 : i32
    %c0_i32_1 = arith.constant 0 : i32
    return %c0_i32, %c0_i32_0 : i32, i32
  }
  func.func @transform_9(%arg0: i32) -> (i32, i32) {
    %c0_i32 = arith.constant 0 : i32
    %c0_i32_0 = arith.constant 0 : i32
    %c0_i32_1 = arith.constant 0 : i32
    return %c0_i32, %c0_i32_0 : i32, i32
  }
  func.func @transform_10(%arg0: i32) -> (i32, i32) {
    %c0_i32 = arith.constant 0 : i32
    %c0_i32_0 = arith.constant 0 : i32
    %c0_i32_1 = arith.constant 0 : i32
    return %c0_i32, %c0_i32_0 : i32, i32
  }
  func.func @transform_11(%arg0: i32) -> (i32, i32) {
    %c0_i32 = arith.constant 0 : i32
    %c0_i32_0 = arith.constant 0 : i32
    return %arg0, %c0_i32 : i32, i32
  }
  func.func @transform_12(%arg0: i32) -> (i32, i32) {
    %c0_i32 = arith.constant 0 : i32
    %c0_i32_0 = arith.constant 0 : i32
    return %arg0, %c0_i32 : i32, i32
  }
}

module attributes {stable_mosaic.version = 14 : i64} {
  func.func @_layer_body(%arg0: i32, %arg1: memref<2000x128xf32, #tpu.memory_space<vmem>>, %arg2: memref<2000x128xf32, #tpu.memory_space<vmem>>, %arg3: memref<2000x1xf32, #tpu.memory_space<vmem>>, %arg4: memref<128x256xf32, #tpu.memory_space<vmem>>, %arg5: memref<256x128xf32, #tpu.memory_space<vmem>>, %arg6: memref<1x128xf32, #tpu.memory_space<vmem>>, %arg7: memref<2000x128xf32, #tpu.memory_space<vmem>>) attributes {dimension_semantics = [#tpu.dimension_semantics<arbitrary>], iteration_bounds = array<i64: 10>, scalar_prefetch = 0 : i64, scratch_operands = 0 : i64, tpu.core_type = #tpu.core_type<tc>, window_params = [{transform_indices = @transform_0, window_bounds = array<i64: 2000, 128>}, {transform_indices = @transform_1, window_bounds = array<i64: 2000, 128>}, {transform_indices = @transform_2, window_bounds = array<i64: 2000, 1>}, {pipeline_mode = #tpu.pipeline_mode<synchronous>, transform_indices = @transform_3, window_bounds = array<i64: 128, 256>}, {pipeline_mode = #tpu.pipeline_mode<synchronous>, transform_indices = @transform_4, window_bounds = array<i64: 256, 128>}, {pipeline_mode = #tpu.pipeline_mode<synchronous>, transform_indices = @transform_5, window_bounds = array<i64: 1, 128>}, {transform_indices = @transform_6, window_bounds = array<i64: 2000, 128>}]} {
    %get3A = arith.constant 0 : index
    %get3A_0 = arith.constant 0 : index
    %get3A_1 = vector.load %arg3[%get3A, %get3A_0] : memref<2000x1xf32, #tpu.memory_space<vmem>>, vector<2000x1xf32>
    %get3A_2 = arith.constant 0 : index
    %get3A_3 = arith.constant 0 : index
    %get3A_4 = vector.load %arg1[%get3A_2, %get3A_3] : memref<2000x128xf32, #tpu.memory_space<vmem>>, vector<2000x128xf32>
    %get3A_5 = arith.constant 0 : index
    %get3A_6 = arith.constant 0 : index
    %get3A_7 = vector.load %arg2[%get3A_5, %get3A_6] : memref<2000x128xf32, #tpu.memory_space<vmem>>, vector<2000x128xf32>
    %add3A = arith.addf %get3A_4, %get3A_7 : vector<2000x128xf32>
    %mul3A = vector.broadcast %get3A_1 : vector<2000x1xf32> to vector<2000x128xf32>
    %mul3A_8 = arith.mulf %add3A, %mul3A : vector<2000x128xf32>
    %get3A_9 = arith.constant 0 : index
    %get3A_10 = arith.constant 0 : index
    %get3A_11 = vector.load %arg4[%get3A_9, %get3A_10] : memref<128x256xf32, #tpu.memory_space<vmem>>, vector<128x256xf32>
    %dot_general3A = arith.constant dense<0.000000e+00> : vector<2000x256xf32>
    %dot_general3A_12 = tpu.matmul %mul3A_8, %get3A_11, %dot_general3A {dimension_numbers = #tpu.dot_dimension_numbers<[1], [0], [0], [1], [0, 0, 1, 1], [], []>, precision = #tpu.contract_precision<fp32>, transpose_lhs_hint = false} : vector<2000x128xf32>, vector<128x256xf32>, vector<2000x256xf32> -> vector<2000x256xf32>
    %max3A = arith.constant 0.000000e+00 : f32
    %max3A_13 = vector.broadcast %max3A : f32 to vector<2000x256xf32>
    %max3A_14 = arith.maximumf %dot_general3A_12, %max3A_13 : vector<2000x256xf32>
    %get3A_15 = arith.constant 0 : index
    %get3A_16 = arith.constant 0 : index
    %get3A_17 = vector.load %arg5[%get3A_15, %get3A_16] : memref<256x128xf32, #tpu.memory_space<vmem>>, vector<256x128xf32>
    %dot_general3A_18 = arith.constant dense<0.000000e+00> : vector<2000x128xf32>
    %dot_general3A_19 = tpu.matmul %max3A_14, %get3A_17, %dot_general3A_18 {dimension_numbers = #tpu.dot_dimension_numbers<[1], [0], [0], [1], [0, 0, 1, 1], [], []>, precision = #tpu.contract_precision<fp32>, transpose_lhs_hint = false} : vector<2000x256xf32>, vector<256x128xf32>, vector<2000x128xf32> -> vector<2000x128xf32>
    %get3A_20 = arith.constant 0 : index
    %get3A_21 = arith.constant 0 : index
    %get3A_22 = vector.load %arg6[%get3A_20, %get3A_21] : memref<1x128xf32, #tpu.memory_space<vmem>>, vector<1x128xf32>
    %add3A_23 = vector.broadcast %get3A_22 : vector<1x128xf32> to vector<2000x128xf32>
    %add3A_24 = arith.addf %dot_general3A_19, %add3A_23 : vector<2000x128xf32>
    %mul3A_25 = vector.broadcast %get3A_1 : vector<2000x1xf32> to vector<2000x128xf32>
    %mul3A_26 = arith.mulf %add3A_24, %mul3A_25 : vector<2000x128xf32>
    %swap3A = arith.constant 0 : index
    %swap3A_27 = arith.constant 0 : index
    %swap3A_28 = vector.load %arg7[%swap3A, %swap3A_27] : memref<2000x128xf32, #tpu.memory_space<vmem>>, vector<2000x128xf32>
    tpu.vector_store %arg7[%swap3A, %swap3A_27], %mul3A_26 {strides = array<i32>} : memref<2000x128xf32, #tpu.memory_space<vmem>>, vector<2000x128xf32>,
    return
  }
  func.func @transform_0(%arg0: i32) -> (i32, i32) {
    %c0_i32 = arith.constant 0 : i32
    %c0_i32_0 = arith.constant 0 : i32
    return %arg0, %c0_i32 : i32, i32
  }
  func.func @transform_1(%arg0: i32) -> (i32, i32) {
    %c0_i32 = arith.constant 0 : i32
    %c0_i32_0 = arith.constant 0 : i32
    return %arg0, %c0_i32 : i32, i32
  }
  func.func @transform_2(%arg0: i32) -> (i32, i32) {
    %c0_i32 = arith.constant 0 : i32
    %c0_i32_0 = arith.constant 0 : i32
    return %arg0, %c0_i32 : i32, i32
  }
  func.func @transform_3(%arg0: i32) -> (i32, i32) {
    %c0_i32 = arith.constant 0 : i32
    %c0_i32_0 = arith.constant 0 : i32
    %c0_i32_1 = arith.constant 0 : i32
    return %c0_i32, %c0_i32_0 : i32, i32
  }
  func.func @transform_4(%arg0: i32) -> (i32, i32) {
    %c0_i32 = arith.constant 0 : i32
    %c0_i32_0 = arith.constant 0 : i32
    %c0_i32_1 = arith.constant 0 : i32
    return %c0_i32, %c0_i32_0 : i32, i32
  }
  func.func @transform_5(%arg0: i32) -> (i32, i32) {
    %c0_i32 = arith.constant 0 : i32
    %c0_i32_0 = arith.constant 0 : i32
    %c0_i32_1 = arith.constant 0 : i32
    return %c0_i32, %c0_i32_0 : i32, i32
  }
  func.func @transform_6(%arg0: i32) -> (i32, i32) {
    %c0_i32 = arith.constant 0 : i32
    %c0_i32_0 = arith.constant 0 : i32
    return %arg0, %c0_i32 : i32, i32
  }
}

module attributes {stable_mosaic.version = 14 : i64} {
  func.func @_head_body(%arg0: i32, %arg1: memref<2000x128xf32, #tpu.memory_space<vmem>>, %arg2: memref<2000x128xf32, #tpu.memory_space<vmem>>, %arg3: memref<2000x1xf32, #tpu.memory_space<vmem>>, %arg4: memref<128x128xf32, #tpu.memory_space<vmem>>, %arg5: memref<1x128xf32, #tpu.memory_space<vmem>>, %arg6: memref<128x128xf32, #tpu.memory_space<vmem>>, %arg7: memref<1x128xf32, #tpu.memory_space<vmem>>, %arg8: memref<2000x128xf32, #tpu.memory_space<vmem>>) attributes {dimension_semantics = [#tpu.dimension_semantics<arbitrary>], iteration_bounds = array<i64: 10>, scalar_prefetch = 0 : i64, scratch_operands = 0 : i64, tpu.core_type = #tpu.core_type<tc>, window_params = [{transform_indices = @transform_0, window_bounds = array<i64: 2000, 128>}, {transform_indices = @transform_1, window_bounds = array<i64: 2000, 128>}, {transform_indices = @transform_2, window_bounds = array<i64: 2000, 1>}, {pipeline_mode = #tpu.pipeline_mode<synchronous>, transform_indices = @transform_3, window_bounds = array<i64: 128, 128>}, {pipeline_mode = #tpu.pipeline_mode<synchronous>, transform_indices = @transform_4, window_bounds = array<i64: 1, 128>}, {pipeline_mode = #tpu.pipeline_mode<synchronous>, transform_indices = @transform_5, window_bounds = array<i64: 128, 128>}, {pipeline_mode = #tpu.pipeline_mode<synchronous>, transform_indices = @transform_6, window_bounds = array<i64: 1, 128>}, {transform_indices = @transform_7, window_bounds = array<i64: 2000, 128>}]} {
    %get3A = arith.constant 0 : index
    %get3A_0 = arith.constant 0 : index
    %get3A_1 = vector.load %arg1[%get3A, %get3A_0] : memref<2000x128xf32, #tpu.memory_space<vmem>>, vector<2000x128xf32>
    %get3A_2 = arith.constant 0 : index
    %get3A_3 = arith.constant 0 : index
    %get3A_4 = vector.load %arg2[%get3A_2, %get3A_3] : memref<2000x128xf32, #tpu.memory_space<vmem>>, vector<2000x128xf32>
    %add3A = arith.addf %get3A_1, %get3A_4 : vector<2000x128xf32>
    %get3A_5 = arith.constant 0 : index
    %get3A_6 = arith.constant 0 : index
    %get3A_7 = vector.load %arg3[%get3A_5, %get3A_6] : memref<2000x1xf32, #tpu.memory_space<vmem>>, vector<2000x1xf32>
    %mul3A = vector.broadcast %get3A_7 : vector<2000x1xf32> to vector<2000x128xf32>
    %mul3A_8 = arith.mulf %add3A, %mul3A : vector<2000x128xf32>
    %get3A_9 = arith.constant 0 : index
    %get3A_10 = arith.constant 0 : index
    %get3A_11 = vector.load %arg4[%get3A_9, %get3A_10] : memref<128x128xf32, #tpu.memory_space<vmem>>, vector<128x128xf32>
    %dot_general3A = arith.constant dense<0.000000e+00> : vector<2000x128xf32>
    %dot_general3A_12 = tpu.matmul %mul3A_8, %get3A_11, %dot_general3A {dimension_numbers = #tpu.dot_dimension_numbers<[1], [0], [0], [1], [0, 0, 1, 1], [], []>, precision = #tpu.contract_precision<fp32>, transpose_lhs_hint = false} : vector<2000x128xf32>, vector<128x128xf32>, vector<2000x128xf32> -> vector<2000x128xf32>
    %get3A_13 = arith.constant 0 : index
    %get3A_14 = arith.constant 0 : index
    %get3A_15 = vector.load %arg5[%get3A_13, %get3A_14] : memref<1x128xf32, #tpu.memory_space<vmem>>, vector<1x128xf32>
    %add3A_16 = vector.broadcast %get3A_15 : vector<1x128xf32> to vector<2000x128xf32>
    %add3A_17 = arith.addf %dot_general3A_12, %add3A_16 : vector<2000x128xf32>
    %max3A = arith.constant 0.000000e+00 : f32
    %max3A_18 = vector.broadcast %max3A : f32 to vector<2000x128xf32>
    %max3A_19 = arith.maximumf %add3A_17, %max3A_18 : vector<2000x128xf32>
    %get3A_20 = arith.constant 0 : index
    %get3A_21 = arith.constant 0 : index
    %get3A_22 = vector.load %arg6[%get3A_20, %get3A_21] : memref<128x128xf32, #tpu.memory_space<vmem>>, vector<128x128xf32>
    %dot_general3A_23 = arith.constant dense<0.000000e+00> : vector<2000x128xf32>
    %dot_general3A_24 = tpu.matmul %max3A_19, %get3A_22, %dot_general3A_23 {dimension_numbers = #tpu.dot_dimension_numbers<[1], [0], [0], [1], [0, 0, 1, 1], [], []>, precision = #tpu.contract_precision<fp32>, transpose_lhs_hint = false} : vector<2000x128xf32>, vector<128x128xf32>, vector<2000x128xf32> -> vector<2000x128xf32>
    %get3A_25 = arith.constant 0 : index
    %get3A_26 = arith.constant 0 : index
    %get3A_27 = vector.load %arg7[%get3A_25, %get3A_26] : memref<1x128xf32, #tpu.memory_space<vmem>>, vector<1x128xf32>
    %add3A_28 = vector.broadcast %get3A_27 : vector<1x128xf32> to vector<2000x128xf32>
    %add3A_29 = arith.addf %dot_general3A_24, %add3A_28 : vector<2000x128xf32>
    %swap3A = arith.constant 0 : index
    %swap3A_30 = arith.constant 0 : index
    %swap3A_31 = vector.load %arg8[%swap3A, %swap3A_30] : memref<2000x128xf32, #tpu.memory_space<vmem>>, vector<2000x128xf32>
    tpu.vector_store %arg8[%swap3A, %swap3A_30], %add3A_29 {strides = array<i32>} : memref<2000x128xf32, #tpu.memory_space<vmem>>, vector<2000x128xf32>,
    return
  }
  func.func @transform_0(%arg0: i32) -> (i32, i32) {
    %c0_i32 = arith.constant 0 : i32
    %c0_i32_0 = arith.constant 0 : i32
    return %arg0, %c0_i32 : i32, i32
  }
  func.func @transform_1(%arg0: i32) -> (i32, i32) {
    %c0_i32 = arith.constant 0 : i32
    %c0_i32_0 = arith.constant 0 : i32
    return %arg0, %c0_i32 : i32, i32
  }
  func.func @transform_2(%arg0: i32) -> (i32, i32) {
    %c0_i32 = arith.constant 0 : i32
    %c0_i32_0 = arith.constant 0 : i32
    return %arg0, %c0_i32 : i32, i32
  }
  func.func @transform_3(%arg0: i32) -> (i32, i32) {
    %c0_i32 = arith.constant 0 : i32
    %c0_i32_0 = arith.constant 0 : i32
    %c0_i32_1 = arith.constant 0 : i32
    return %c0_i32, %c0_i32_0 : i32, i32
  }
  func.func @transform_4(%arg0: i32) -> (i32, i32) {
    %c0_i32 = arith.constant 0 : i32
    %c0_i32_0 = arith.constant 0 : i32
    %c0_i32_1 = arith.constant 0 : i32
    return %c0_i32, %c0_i32_0 : i32, i32
  }
  func.func @transform_5(%arg0: i32) -> (i32, i32) {
    %c0_i32 = arith.constant 0 : i32
    %c0_i32_0 = arith.constant 0 : i32
    %c0_i32_1 = arith.constant 0 : i32
    return %c0_i32, %c0_i32_0 : i32, i32
  }
  func.func @transform_6(%arg0: i32) -> (i32, i32) {
    %c0_i32 = arith.constant 0 : i32
    %c0_i32_0 = arith.constant 0 : i32
    %c0_i32_1 = arith.constant 0 : i32
    return %c0_i32, %c0_i32_0 : i32, i32
  }
  func.func @transform_7(%arg0: i32) -> (i32, i32) {
    %c0_i32 = arith.constant 0 : i32
    %c0_i32_0 = arith.constant 0 : i32
    return %arg0, %c0_i32 : i32, i32
  }
}

</mosaic_0001>

<sc_bundles>
// kernel: kernel.11.cloned.1.call-start
scs
__scs_entry_jumppad:
0x0: {  	(pc) =	sbr.rel $0x88, $3  }
0x1: {  	(tag) =	ssettag $0x0;
	lr =	simm.s32 $0x1  }
0x2: {  	[smem:$0x3F90] =	sst lr;
	_ =	strace $0xD0000000  }
0x3: {  	_ = 	snop  }
0x4: {  	_ = 	snop  }
0x5: {  	_ = 	snop  }
0x6: {  	_ = 	snop  }
0x7: {  	_ = 	snop  }
__scs_overlays_trampoline_lowered:
0x8: {  	[smem:$0x3F9F] =	sst s0  }
0x9: {  	[smem:$0x3FA0] =	sst s1  }
0xa: {  	[smem:$0x3FA1] =	sst s2  }
0xb: {  	[smem:$0x3FA2] =	sst s3  }
0xc: {  	[smem:$0x3FA3] =	sst s4  }
0xd: {  	[smem:$0x3FA4] =	sst s5  }
0xe: {  	[smem:$0x3FA5] =	sst s6  }
0xf: {  	[smem:$0x3FA6] =	sst s7  }
0x10: {  	[smem:$0x3FA7] =	sst s8  }
0x11: {  	[smem:$0x3FA8] =	sst s9;
	s0 =	simm.s32 @!p0 $0x0  }
0x12: {  	s1 =	sld [smem:$0x3F8E];
	s0 =	simm.s32 @p0 $0x1  }
0x13: {  	[smem:$0x3FA9] =	sst s0;
	s0 =	simm.s32 @!p1 $0x0  }
0x14: {  	s2 =	sld [smem:$0x3F8D];
	s0 =	simm.s32 @p1 $0x1  }
0x15: {  	[smem:$0x3FAA] =	sst s0;
	s0 =	simm.s32 @!p2 $0x0  }
0x16: {  	s3 =	sld [smem:$0x3FDB];
	s0 =	simm.s32 @p2 $0x1  }
0x17: {  	s4 =	simm.s32 $0x1BF5;
	[smem:$0x3FAC] =	sst s0  }
0x18: {  	s0 =	sld [smem:$0x3F8F];
	_ =	swait.ge [sflag:s4], $0x0  }
0x19: {  	s7 =	sld [smem:$0x3F90]  }
0x1a: {  	s8 =	sadd.s32 $0xFFFFE003, lr  }
0x1b: {  	s9 =	sadd.s32 $0xFFFFFEF7, lr;
	s5 =	simm.s32 $0xFFFFFFFF;
	p2 =	slt.u32 s8, $0xFFFFF086  }
0x1c: {  	p1 =	slt.u32 s9, $0xF7A;
	s5 =	simm.s32 @!p2 $0x0  }
0x1d: {  	s5 =	simm.s32 @p1 $0x1;
	p0 =	seq.s32 s7, s2  }
0x1e: {  	s7 =	smul.u32 @!p0 $0xF7A, s2;
	p2 =	seq.s32 @!p0 s5, $0x0  }
0x1f: {  	s9 =	smul.u32 $0xF7A, s1;
	s8 =	simm.s32 @!p0 $0x1BF5;
	p2 =	por !p2, p0  }
0x20: {  	[sflag:s8] =	ssyncset.s32 @!p0 $0xFFFFF086;
	s6 =	sadd.s32 @!p0 s3, s7;
	s7 =	simm.s32 @!p0 $0x108  }
0x21: {  	s3 =	sadd.s32 s3, s9;
	s6 =	sadd.s32 @!p0 $0x88, s6;
	s7 =	simm.s32 @p2 $0x1082  }
0x22: {  	[simem:s7], [sflag:s8] =	dma.local @!p0 [hbm:s6], $0xF7A  }
0x23: {  	s9 =	sor.u32 $0xD0000000, s2;
	s6 =	simm.s32 $0x108;
	_ =	swait.ge @!p0 [sflag:s8], $0x0  }
0x24: {  	s3 =	sadd.s32 $0x88, s3;
	s6 =	simm.s32 @!p1 $0x1082;
	[sflag:s4] =	ssyncset.s32 $0xFFFFF086  }
0x25: {  	[simem:s6], [sflag:s4] =	dma.local [hbm:s3], $0xF7A  }
0x26: {  	[smem:$0x3F90] =	sst s1;
	(tag) =	ssettag s2;
	_ =	strace s9  }
0x27: {  	s1 =	sld [smem:$0x3FA0]  }
0x28: {  	s2 =	sld [smem:$0x3FA1]  }
0x29: {  	s4 =	sld [smem:$0x3FA3]  }
0x2a: {  	p0 =	seq.s32 s5, $0x0;
	s5 =	sld [smem:$0x3FA4]  }
0x2b: {  	s6 =	sld [smem:$0x3FA5]  }
0x2c: {  	s7 =	sld [smem:$0x3FA6]  }
0x2d: {  	s3 =	simm.s32 $0x108;
	s8 =	sld [smem:$0x3FA7]  }
0x2e: {  	s3 =	simm.s32 @!p0 $0x1082;
	s9 =	sld [smem:$0x3FA8]  }
0x2f: {  	lr =	sadd.s32 s0, s3;
	s0 =	sld [smem:$0x3F9F]  }
0x30: {  	s3 =	sld [smem:$0x3FA2]  }
0x31: {  	[smem:$0x3FAB] =	sst s10  }
0x32: {  	s10 =	sld [smem:$0x3FA9];
	_ =	sdelay $0x3  }
0x33: {  	p0 =	seq.s32 s10, $0x1;
	s10 =	sld [smem:$0x3FAB];
	_ =	sdelay $0x3  }
0x34: {  	[smem:$0x3FAB] =	sst s10  }
0x35: {  	s10 =	sld [smem:$0x3FAA];
	_ =	sdelay $0x3  }
0x36: {  	p1 =	seq.s32 s10, $0x1;
	s10 =	sld [smem:$0x3FAB];
	_ =	sdelay $0x3  }
0x37: {  	[smem:$0x3FAB] =	sst s10  }
0x38: {  	s10 =	sld [smem:$0x3FAC]  }
0x39: {  	_ = 	snop;
	(pc) =	sbr.ind lr, $3  }
0x3a: {  	_ = 	snop  }
0x3b: {  	_ = 	snop  }
0x3c: {  	p2 =	seq.s32 s10, $0x1;
	s10 =	sld [smem:$0x3FAB]  }
0x3d: {  	_ =	shalt  }
0x3e: {  	_ =	shalt  }
0x3f: {  	_ =	shalt  }
0x40: {  	_ =	shalt  }
0x41: {  	_ =	shalt  }
0x42: {  	_ =	shalt  }
0x43: {  	_ =	shalt  }
0x44: {  	_ =	shalt  }
0x45: {  	_ =	shalt  }
0x46: {  	_ =	shalt  }
0x47: {  	_ =	shalt  }
0x48: {  	_ =	shalt  }
0x49: {  	_ =	shalt  }
0x4a: {  	_ =	shalt  }
0x4b: {  	_ =	shalt  }
0x4c: {  	_ =	shalt  }
0x4d: {  	_ =	shalt  }
0x4e: {  	_ =	shalt  }
0x4f: {  	_ =	shalt  }
0x50: {  	_ =	shalt  }
0x51: {  	_ =	shalt  }
0x52: {  	_ =	shalt  }
0x53: {  	_ =	shalt  }
0x54: {  	_ =	shalt  }
0x55: {  	_ =	shalt  }
0x56: {  	_ =	shalt  }
0x57: {  	_ =	shalt  }
0x58: {  	_ =	shalt  }
0x59: {  	_ =	shalt  }
0x5a: {  	_ =	shalt  }
0x5b: {  	_ =	shalt  }
0x5c: {  	_ =	shalt  }
0x5d: {  	_ =	shalt  }
0x5e: {  	_ =	shalt  }
0x5f: {  	_ =	shalt  }
0x60: {  	_ =	shalt  }
0x61: {  	_ =	shalt  }
0x62: {  	_ =	shalt  }
0x63: {  	_ =	shalt  }
0x64: {  	_ =	shalt  }
0x65: {  	_ =	shalt  }
0x66: {  	_ =	shalt  }
0x67: {  	_ =	shalt  }
0x68: {  	_ =	shalt  }
0x69: {  	_ =	shalt  }
0x6a: {  	_ =	shalt  }
0x6b: {  	_ =	shalt  }
0x6c: {  	_ =	shalt  }
0x6d: {  	_ =	shalt  }
0x6e: {  	_ =	shalt  }
0x6f: {  	_ =	shalt  }
0x70: {  	_ =	shalt  }
0x71: {  	_ =	shalt  }
0x72: {  	_ =	shalt  }
0x73: {  	_ =	shalt  }
0x74: {  	_ =	shalt  }
0x75: {  	_ =	shalt  }
0x76: {  	_ =	shalt  }
0x77: {  	_ =	shalt  }
0x78: {  	_ =	shalt  }
0x79: {  	_ =	shalt  }
0x7a: {  	_ =	shalt  }
0x7b: {  	_ =	shalt  }
0x7c: {  	_ =	shalt  }
0x7d: {  	_ =	shalt  }
0x7e: {  	_ =	shalt  }
0x7f: {  	_ =	shalt  }
0x80: {  	_ =	shalt  }
0x81: {  	_ =	shalt  }
0x82: {  	_ =	shalt  }
0x83: {  	_ =	shalt  }
0x84: {  	_ =	shalt  }
0x85: {  	_ =	shalt  }
0x86: {  	_ =	shalt  }
0x87: {  	_ =	shalt  }
.Lfunc_end0:
.L_simem_size_0:
called_computation.1_lowered:
.L_overlay_start_0:
0x88: {  	s2 =	sld [smem:$0x3FD9]  }
0x89: {  	s3 =	sld [smem:$0x3FFE];
	_ =	sdelay $0x1  }
0x8a: {  	s1 =	srdreg.scid  }
0x8b: {  	s0 =	sand.u32 $0x1, s1  }
0x8c: {  	s16 =	sshll.u32 s0, $0xA;
	s2 =	sadd.s32 s3, s2  }
0x8d: {  	s2 =	sadd.s32 s2, s16  }
0x8e: {  	[smem:$0x3FB7] =	sst s2  }
0x8f: {  	_ = 	snop  }
0x90: {  	(tm) =	ssettm $0x1  }
0x91: {  	s17 =	sld [smem:$0x3FFB];
	_ =	sdelay $0x3  }
0x92: {  	_ =	strace s17  }
0x93: {  	s2 =	sld [smem:$0x3FFC];
	_ =	sdelay $0x3  }
0x94: {  	_ =	strace s2  }
0x95: {  	s2 =	sld [smem:$0x3FFD];
	_ =	sdelay $0x3  }
0x96: {  	_ =	strace s2  }
0x97: {  	_ =	strace $0x8FFFFFFF  }
0x98: {  	s18 =	sld [smem:$0x3FDB];
	_ =	sdelay $0x1  }
0x99: {  	s19 =	simm.s32 $_scs_section_size  }
0x9a: {  	s4 =	simm.s32 $_size__tile_overlayer_lowered;
	s5 =	simm.s32 $_tile_overlayer_lowered  }
0x9b: {  	s22 =	simm.s32 $0x1BFF;
	s21 =	sshll.u32 s5, $0x1;
	s2 =	sadd.s32 s19, s18  }
0x9c: {  	s6 =	simm.s32 $0x0;
	s20 =	sshll.u32 s4, $0x1;
	s4 =	sadd.s32 s21, s2  }
0x9d: {  	[timem:s6], [sflag:s22] =	dma.local [hbm:s4], s20  }
0x9e: {  	_ =	swait.ge [sflag:s22], s20  }
0x9f: {  	s3 =	ssub.s32 $0x0, s20;
	[sflag:s22] =	ssyncset.done $0x0  }
0xa0: {  	[sflag:s22] =	ssyncadd.s32 s3;
	_ =	sdelay $0x1  }
0xa1: {  	s23 =	simm.s32 $0x1B8B  }
0xa2: {  	_ =	swait.ge [sflag:s23], $0x1  }
0xa3: {  	[sflag:s23] =	ssyncset.done $0x0  }
0xa4: {  	s25 =	simm.s32 $0x1B8E;
	s24 =	sld [smem:$0x3FFE];
	[sflag:s23] =	ssyncadd.s32 $0xFFFFFFFF  }
0xa5: {  	s26 =	simm.s32 $execute0_lowered;
	[smem:$0x3FD2] =	sst s25  }
0xa6: {  	s4 =	sshll.u32 s26, $0x1;
	_ =	strace $0x80000049;
	[dreg:$0x1] =	wrdreg $0xFFFFFFFF  }
0xa7: {  	s28 =	simm.s32 $_size_execute0_lowered;
	s2 =	sadd.s32 s2, s4;
	[dreg:$0x0] =	wrdreg $0x0  }
0xa8: {  	s4 =	sshll.u32 s28, $0x1;
	[dreg:$0x2] =	wrdreg s2  }
0xa9: {  	[dreg:$0x3] =	wrdreg s4  }
0xaa: {  	[dreg:$0x4] =	wrdreg $0xC0  }
0xab: {  	_ =	task [dreg:s6], $0x5FFFF  }
0xac: {  	[dreg:$0x1] =	wrdreg $0xFFFFFFFF  }
0xad: {  	[dreg:$0x0] =	wrdreg $0x60  }
0xae: {  	[dreg:$0x2] =	wrdreg s24  }
0xaf: {  	[dreg:$0x3] =	wrdreg $0x9F800  }
0xb0: {  	[dreg:$0x4] =	wrdreg $0x9  }
0xb1: {  	_ =	task.clear_ibuf [dreg:s6], $0x5FFFF;
	_ =	strace $0x90000049  }
0xb2: {  	s29 =	simm.s32 $0x9;
	_ =	strace $0x8000004B  }
0xb3: {  	_ =	swait.ge [sflag:s29], $0x1  }
0xb4: {  	[sflag:s29] =	ssyncadd.s32 $0xFFFFFFFF  }
0xb5: {  	_ =	strace $0x9000004B  }
0xb6: {  	_ =	sfence  }
0xb7: {  	s30 =	sld [smem:$0x0];
	_ =	sdelay $0x2  }
0xb8: {  	s31 =	sshll.u32 s1, $0xD;
	s1 =	sshrl.u32 s1, $0x2  }
0xb9: {  	s3 =	sand.u32 $0x4000, s31;
	s1 =	sadd.s32 s1, s30  }
0xba: {  	s0 =	sor.u32 s3, s0;
	s1 =	sshll.u32 s1, $0x11  }
0xbb: {  	s0 =	sor.u32 s1, s0  }
0xbc: {  	s0 =	sadd.s32 $0x8F2B, s0  }
0xbd: {  	[sflag:s0] =	ssyncadd.remote.s32 $0x1  }
0xbe: {  	_ =	sfence.sel $0xFFFF  }
0xbf: {  	[dreg:$0x0] =	wrdreg $0xFFFFFFFF;
	(pc) =	sbr.abs _section_cstart, $3  }
0xc0: {  	[dreg:$0x1] =	wrdreg $0xFFFFFFFF  }
0xc1: {  	_ =	task.clear_ibuf [dreg:s6], $0x2FFFF;
	_ =	strace $0x9FFFFFFF  }
0xc2: {  	(tm) =	ssettm $0x7FFFFFFF  }
0xc3: {  	_ =	shalt  }
tec
execute0_lowered:
.L_overlay_start_1:
0x0: {  	(tag) =	ssettag $0x1  }
0x1: {  	s1 =	srdreg.scid  }
0x2: {  	s0 =	stileid.u32;
	s9 =	rddreg [dreg:$0x0]  }
0x3: {  	s2 =	rddreg [dreg:$0x1];
	s3 =	simm.s32 $0x0;
	s19 =	simm.s32 $0x7780  }
0x4: {  	s20 =	simm.s32 $0x1;
	s21 =	simm.s32 $0x4F00;
	s6 =	smul.u32 $0x2710, s0  }
0x5: {  	s5 =	sand.u32 $0x1, s1;
	s1 =	rddreg [dreg:$0x2];
	s11 =	smul.u32 $0x2700, s0  }
0x6: {  	s22 =	simm.s32 $0x0;
	[smem:$0x7FF] =	sst s3;
	s13 =	smul.u32 $0x4E000, s0  }
0x7: {  	s15 =	sadd.s32 $0xD5400, s9;
	s28 =	sshll.u32 s0, $0x6;
	s18 =	sadd.s32 $0x138000, s2  }
0x8: {  	p0 =	sne.s32 s0, $0xF;
	s10 =	smul.u32 $0x27100, s5;
	s8 =	ssub.s32 $0x2, s5  }
0x9: {  	_ =	strace $0x8000004A;
	s29 =	smul.u32 $0x138800, s5;
	s25 =	sshrl.u32 s8, $0x1  }
0xa: {  	s14 =	sadd.s32 s11, s9;
	s26 =	sshrl.u32 s13, $0x2;
	s4 =	sadd.s32 s6, s10  }
0xb: {  	s6 =	sshrl.u32 s6, $0x3;
	s16 =	ssub.s32 s8, s25;
	s17 =	sadd.s32 s26, s2  }
0xc: {  	s5 =	sadd.s32 $0xA4400, s14;
	s30 =	sshrl.u32 s29, $0x3;
	s10 =	sadd.s32 s11, s10  }
0xd: {  	s14 =	simm.s32 $0x2;
	s7 =	sshrl.u32 s4, $0x3;
	s4 =	sadd.s32 $0x8000, s9  }
0xe: {  	s12 =	sadd.s32 s6, s9;
	s6 =	sor.u32 $0x1C02, s28;
	s31 =	sadd.s32 s15, s30  }
0xf: {  	s10 =	sadd.s32 s15, s10;
	s13 =	sshrl.u32 s17, $0x3;
	s15 =	simm.s32 $0x2780  }
0x10: {  	s17 =	simm.s32 $0x50;
	s7 =	sadd.s32 s7, s9;
	s8 =	sadd.s32 $0x3000, s12  }
0x11: {  	s9 =	sadd.s32 $0xCB400, s9;
	s11 =	sadd.s32 $0x27000, s31;
	s12 =	smax.u32 s16, $0x1  }
0x12: {  	s16 =	sshrl.u32 @!p0 s18, $0x3;
	s18 =	simm.s32 $0x4F80;
	s7 =	sadd.s32 $0xCB600, s7  }
.LBB2_1:
0x13: {  	[spmem:s13], [sflag:s6] =	dma.local [hbm:s5], $0x2700  }
0x14: {  	_ =	swait.ge [sflag:s14], $0x2700  }
0x15: {  	[sflag:s14] =	ssyncset.done $0x0  }
0x16: {  	[sflag:s14] =	ssyncadd.s32 $0xFFFFD900  }
0x17: {  	[tilespmem:s3], [sflag:$0x2] =	stream.linear.gather [hbm4b:s7+s3], $0x2710, $0x38;
	[tilespmem:$0x1D800] =	vst v63  }
0x18: {  	_ =	swait.ge [sflag:s14], $0x2710  }
0x19: {  	[sflag:s14] =	ssyncset.done $0x0  }
0x1a: {  	[sflag:s14] =	ssyncadd.s32 $0xFFFFD8F0  }
0x1b: {  	[tilespmem:s15], [sflag:$0x2] =	stream.linear.gather [hbm4b:s8+s3], $0x2710, $0x38;
	[tilespmem:$0x1D800] =	vst v63  }
0x1c: {  	_ =	swait.ge [sflag:s14], $0x2710  }
0x1d: {  	[sflag:s14] =	ssyncset.done $0x0  }
0x1e: {  	s23 =	simm.s32 @!p0 $0x2;
	[sflag:s14] =	ssyncadd.s32 $0xFFFFD8F0  }
0x1f: {  	[spmem:s16], [sflag:s6] =	dma.local @!p0 [hbm:s9], $0x100  }
0x20: {  	_ =	swait.ge @!p0 [sflag:s23], $0x100  }
0x21: {  	[sflag:s23] =	ssyncset.done @!p0 $0x0  }
0x22: {  	[sflag:s23] =	ssyncadd.s32 @!p0 $0xFFFFFF00  }
0x23: {  	[bflag:$0x0] =	sbarrier.arrive $0xFFFF  }
0x24: {  	[tilespmem:s18], [sflag:$0x1] =	stream.indirect.gather [hbm4b:s4+s17], $0x80, s3, s17, $0xb8;
	[tilespmem:$0x1D800] =	vst v63  }
0x25: {  	s30 =	simm.s32 $0x50  }
0x26: {  	[tilespmem:s19], [sflag:$0x1] =	stream.indirect.gather [hbm4b:s4+s17], $0x80, s30, s17, $0xb8;
	[tilespmem:$0x1D800] =	vst v63  }
0x27: {  	_ =	swait.ge [sflag:s20], $0x2800  }
0x28: {  	[sflag:s20] =	ssyncset.done $0x0  }
0x29: {  	s23 =	simm.s32 $0x27D0;
	[sflag:s20] =	ssyncadd.s32 $0xFFFFD800  }
0x2a: {  	v0 =	vld [tilespmem:s23+$0xFFFFFFB0];
	_ =	sdelay $0x4  }
0x2b: {  	[tilespmem:$0x4F00] =	vst v0  }
0x2c: {  	v0 =	vld [tilespmem:s23+$0xFFFFFFC0];
	_ =	sdelay $0x4  }
0x2d: {  	[tilespmem:$0x4F10] =	vst v0  }
0x2e: {  	v0 =	vld [tilespmem:s23+$0xFFFFFFD0];
	_ =	sdelay $0x4  }
0x2f: {  	[tilespmem:$0x4F20] =	vst v0  }
0x30: {  	v0 =	vld [tilespmem:s23+$0xFFFFFFE0];
	_ =	sdelay $0x4  }
0x31: {  	[tilespmem:$0x4F30] =	vst v0  }
0x32: {  	v0 =	vld [tilespmem:s23+$0xFFFFFFF0];
	_ =	sdelay $0x4  }
0x33: {  	[tilespmem:$0x4F40] =	vst v0  }
0x34: {  	[spmem:s2] =	stream.indirect.scatter.add.f32 [tilespmem:s18], [sflag:$0x2], $0x80, s21, s17, $0xb8;
	[tilespmem:$0x1D800] =	vst v63  }
0x35: {  	_ =	swait.ge [sflag:s14], $0x2800  }
0x36: {  	[sflag:s14] =	ssyncset.done $0x0  }
0x37: {  	s24 =	simm.s32 $0xA0;
	[sflag:s14] =	ssyncadd.s32 $0xFFFFD800  }
0x38: {  	[tilespmem:s18], [sflag:$0x1] =	stream.indirect.gather [hbm4b:s4+s17], $0x80, s24, s17, $0xb8;
	[tilespmem:$0x1D800] =	vst v63  }
0x39: {  	_ =	swait.ge [sflag:s20], $0x2800  }
0x3a: {  	[sflag:s20] =	ssyncset.done $0x0  }
0x3b: {  	[sflag:s20] =	ssyncadd.s32 $0xFFFFD800  }
0x3c: {  	v63 =	vld [tilespmem:s23+$0x0];
	_ =	sdelay $0x4  }
0x3d: {  	[tilespmem:$0x4F00] =	vst v63  }
0x3e: {  	v0 =	vld [tilespmem:s23+$0x10];
	_ =	sdelay $0x4  }
0x3f: {  	[tilespmem:$0x4F10] =	vst v0  }
0x40: {  	v0 =	vld [tilespmem:s23+$0x20];
	_ =	sdelay $0x4  }
0x41: {  	s31 =	sand.u32 $0x3FE0, s3;
	[tilespmem:$0x4F20] =	vst v0  }
0x42: {  	v0 =	vld [tilespmem:s31+$0x2800];
	_ =	sdelay $0x4  }
0x43: {  	[tilespmem:$0x4F30] =	vst v0  }
0x44: {  	v0 =	vld [tilespmem:s23+$0x40];
	_ =	sdelay $0x4  }
0x45: {  	[tilespmem:$0x4F40] =	vst v0  }
0x46: {  	[spmem:s2] =	stream.indirect.scatter.add.f32 [tilespmem:s19], [sflag:$0x2], $0x80, s21, s17, $0xb8;
	[tilespmem:$0x1D800] =	vst v63  }
0x47: {  	s26 =	simm.s32 $0x140;
	_ =	swait.ge [sflag:s14], $0x2800  }
0x48: {  	s25 =	simm.s32 $0x140;
	s24 =	simm.s32 $0xA0;
	[sflag:s14] =	ssyncset.done $0x0  }
.LBB2_2:
0x49: {  	s29 =	sadd.s32 $0xFFFFFFB0, s25  }
0x4a: {  	[sflag:s14] =	ssyncadd.s32 $0xFFFFD800;
	s23 =	sadd.s32 $0xA0, s23;
	s28 =	smov.u32 s26  }
0x4b: {  	[tilespmem:s19], [sflag:$0x1] =	stream.indirect.gather [hbm4b:s4+s17], $0x80, s29, s17, $0xb8;
	[tilespmem:$0x1D800] =	vst v63  }
0x4c: {  	p1 =	sne.s32 s26, $0x2620;
	s26 =	sadd.s32 $0xA0, s26;
	_ =	swait.ge [sflag:s20], $0x2800  }
0x4d: {  	[sflag:s20] =	ssyncset.done $0x0  }
0x4e: {  	[sflag:s20] =	ssyncadd.s32 $0xFFFFD800  }
0x4f: {  	v0 =	vld [tilespmem:s23+$0xFFFFFFB0];
	_ =	sdelay $0x4  }
0x50: {  	[tilespmem:$0x4F00] =	vst v0  }
0x51: {  	v0 =	vld [tilespmem:s23+$0xFFFFFFC0];
	_ =	sdelay $0x4  }
0x52: {  	[tilespmem:$0x4F10] =	vst v0  }
0x53: {  	v0 =	vld [tilespmem:s23+$0xFFFFFFD0];
	_ =	sdelay $0x4  }
0x54: {  	[tilespmem:$0x4F20] =	vst v0  }
0x55: {  	v0 =	vld [tilespmem:s23+$0xFFFFFFE0];
	_ =	sdelay $0x4  }
0x56: {  	[tilespmem:$0x4F30] =	vst v0  }
0x57: {  	v0 =	vld [tilespmem:s23+$0xFFFFFFF0];
	_ =	sdelay $0x4  }
0x58: {  	[tilespmem:$0x4F40] =	vst v0  }
0x59: {  	[spmem:s2] =	stream.indirect.scatter.add.f32 [tilespmem:s18], [sflag:$0x2], $0x80, s21, s17, $0xb8;
	[tilespmem:$0x1D800] =	vst v63  }
0x5a: {  	_ =	swait.ge [sflag:s14], $0x2800  }
0x5b: {  	[sflag:s14] =	ssyncset.done $0x0  }
0x5c: {  	[sflag:s14] =	ssyncadd.s32 $0xFFFFD800  }
0x5d: {  	[tilespmem:s18], [sflag:$0x1] =	stream.indirect.gather [hbm4b:s4+s17], $0x80, s25, s17, $0xb8;
	[tilespmem:$0x1D800] =	vst v63  }
0x5e: {  	_ =	swait.ge [sflag:s20], $0x2800  }
0x5f: {  	[sflag:s20] =	ssyncset.done $0x0  }
0x60: {  	[sflag:s20] =	ssyncadd.s32 $0xFFFFD800  }
0x61: {  	v0 =	vld [tilespmem:s23+$0x0];
	_ =	sdelay $0x4  }
0x62: {  	[tilespmem:$0x4F00] =	vst v0  }
0x63: {  	v0 =	vld [tilespmem:s23+$0x10];
	_ =	sdelay $0x4  }
0x64: {  	[tilespmem:$0x4F10] =	vst v0  }
0x65: {  	v0 =	vld [tilespmem:s23+$0x20];
	_ =	sdelay $0x4  }
0x66: {  	s29 =	sand.u32 $0x3FE0, s24;
	s24 =	smov.u32 s28;
	[tilespmem:$0x4F20] =	vst v0  }
0x67: {  	v0 =	vld [tilespmem:s29+$0x2800];
	_ =	sdelay $0x4  }
0x68: {  	[tilespmem:$0x4F30] =	vst v0  }
0x69: {  	v0 =	vld [tilespmem:s23+$0x40];
	_ =	sdelay $0x3  }
.Ltmp0:
0x6a: {  	(pc) =	sbr.rel @p1 .LBB2_2-.Ltmp0, $4  }
0x6b: {  	[tilespmem:$0x4F40] =	vst v0  }
0x6c: {  	[spmem:s2] =	stream.indirect.scatter.add.f32 [tilespmem:s19], [sflag:$0x2], $0x80, s21, s17, $0xb8;
	[tilespmem:$0x1D800] =	vst v63  }
0x6d: {  	_ =	swait.ge [sflag:s14], $0x2800  }
0x6e: {  	s25 =	sadd.s32 $0xA0, s25;
	[sflag:s14] =	ssyncset.done $0x0  }
0x6f: {  	s26 =	sadd.s32 $0xFFFFFFB0, s25;
	[sflag:s14] =	ssyncadd.s32 $0xFFFFD800  }
0x70: {  	[tilespmem:s19], [sflag:$0x1] =	stream.indirect.gather [hbm4b:s4+s17], $0x80, s26, s17, $0xb8;
	[tilespmem:$0x1D800] =	vst v63  }
0x71: {  	_ =	swait.ge [sflag:s20], $0x2800  }
0x72: {  	[sflag:s20] =	ssyncset.done $0x0  }
0x73: {  	s23 =	sadd.s32 $0xA0, s23;
	[sflag:s20] =	ssyncadd.s32 $0xFFFFD800  }
0x74: {  	v0 =	vld [tilespmem:s23+$0xFFFFFFB0];
	_ =	sdelay $0x4  }
0x75: {  	[tilespmem:$0x4F00] =	vst v0  }
0x76: {  	v0 =	vld [tilespmem:s23+$0xFFFFFFC0];
	_ =	sdelay $0x4  }
0x77: {  	[tilespmem:$0x4F10] =	vst v0  }
0x78: {  	v0 =	vld [tilespmem:s23+$0xFFFFFFD0];
	_ =	sdelay $0x4  }
0x79: {  	[tilespmem:$0x4F20] =	vst v0  }
0x7a: {  	v0 =	vld [tilespmem:s23+$0xFFFFFFE0];
	_ =	sdelay $0x4  }
0x7b: {  	[tilespmem:$0x4F30] =	vst v0  }
0x7c: {  	v0 =	vld [tilespmem:s23+$0xFFFFFFF0];
	_ =	sdelay $0x4  }
0x7d: {  	[tilespmem:$0x4F40] =	vst v0  }
0x7e: {  	[spmem:s2] =	stream.indirect.scatter.add.f32 [tilespmem:s18], [sflag:$0x2], $0x80, s21, s17, $0xb8;
	[tilespmem:$0x1D800] =	vst v63  }
0x7f: {  	_ =	swait.ge [sflag:s14], $0x2800  }
0x80: {  	[sflag:s14] =	ssyncset.done $0x0  }
0x81: {  	[sflag:s14] =	ssyncadd.s32 $0xFFFFD800  }
0x82: {  	[tilespmem:s18], [sflag:$0x1] =	stream.indirect.gather [hbm4b:s4+s17], $0x80, s25, s17, $0xb8;
	[tilespmem:$0x1D800] =	vst v63  }
0x83: {  	_ =	swait.ge [sflag:s20], $0x2800  }
0x84: {  	[sflag:s20] =	ssyncset.done $0x0  }
0x85: {  	[sflag:s20] =	ssyncadd.s32 $0xFFFFD800  }
0x86: {  	v62 =	vld [tilespmem:s23+$0x0];
	_ =	sdelay $0x4  }
0x87: {  	[tilespmem:$0x4F00] =	vst v62  }
0x88: {  	v0 =	vld [tilespmem:s23+$0x10];
	_ =	sdelay $0x4  }
0x89: {  	[tilespmem:$0x4F10] =	vst v0  }
0x8a: {  	v0 =	vld [tilespmem:s23+$0x20];
	_ =	sdelay $0x4  }
0x8b: {  	s24 =	sand.u32 $0x3FE0, s24;
	[tilespmem:$0x4F20] =	vst v0  }
0x8c: {  	v0 =	vld [tilespmem:s24+$0x2800];
	_ =	sdelay $0x4  }
0x8d: {  	[tilespmem:$0x4F30] =	vst v0  }
0x8e: {  	v0 =	vld [tilespmem:s23+$0x40];
	_ =	sdelay $0x4  }
0x8f: {  	[tilespmem:$0x4F40] =	vst v0  }
0x90: {  	[spmem:s2] =	stream.indirect.scatter.add.f32 [tilespmem:s19], [sflag:$0x2], $0x80, s21, s17, $0xb8;
	[tilespmem:$0x1D800] =	vst v63  }
0x91: {  	_ =	swait.ge [sflag:s14], $0x2800  }
0x92: {  	[sflag:s14] =	ssyncset.done $0x0  }
0x93: {  	[sflag:s14] =	ssyncadd.s32 $0xFFFFD800  }
0x94: {  	_ =	swait.ge [sflag:s20], $0x2800  }
0x95: {  	[sflag:s20] =	ssyncset.done $0x0  }
0x96: {  	[sflag:s20] =	ssyncadd.s32 $0xFFFFD800  }
0x97: {  	v63 =	vld [tilespmem:$0x4E40]  }
0x98: {  	v1 =	vld [tilespmem:$0x4E50]  }
0x99: {  	v2 =	vld [tilespmem:$0x4E60]  }
0x9a: {  	v3 =	vld [tilespmem:$0x4E70]  }
0x9b: {  	v4 =	vld [tilespmem:$0x4E80]  }
0x9c: {  	[tilespmem:$0x4F00] =	vst v63  }
0x9d: {  	[tilespmem:$0x4F10] =	vst v1  }
0x9e: {  	[tilespmem:$0x4F20] =	vst v2  }
0x9f: {  	[tilespmem:$0x4F30] =	vst v3  }
0xa0: {  	[tilespmem:$0x4F40] =	vst v4  }
0xa1: {  	[spmem:s2] =	stream.indirect.scatter.add.f32 [tilespmem:s18], [sflag:$0x2], $0x80, s21, s17, $0xb8;
	[tilespmem:$0x1D800] =	vst v63  }
0xa2: {  	_ =	swait.ge [sflag:s14], $0x2800  }
0xa3: {  	[sflag:s14] =	ssyncset.done $0x0  }
0xa4: {  	[sflag:s14] =	ssyncadd.s32 $0xFFFFD800  }
0xa5: {  	[bflag:$0x0] =	sbarrier.arrive $0xFFFF  }
0xa6: {  	[hbm:s10], [sflag:s6] =	dma.local [spmem:s13], $0x2700  }
0xa7: {  	s22 =	sadd.s32 $0x1, s22;
	_ =	swait.ge [sflag:s14], $0x2700  }
0xa8: {  	p1 =	sne.s32 s22, s12;
	[sflag:s14] =	ssyncset.done $0x0  }
.Ltmp1:
0xa9: {  	s23 =	simm.s32 @!p0 $0x2;
	[sflag:s14] =	ssyncadd.s32 $0xFFFFD900;
	(pc) =	sbr.rel @p1 .LBB2_1-.Ltmp1, $4  }
0xaa: {  	[hbm:s11], [sflag:s6] =	dma.local @!p0 [spmem:s16], $0x100  }
0xab: {  	_ =	swait.ge @!p0 [sflag:s23], $0x100  }
0xac: {  	[sflag:s23] =	ssyncset.done @!p0 $0x0  }
0xad: {  	[sflag:s23] =	ssyncadd.s32 @!p0 $0xFFFFFF00  }
0xae: {  	_ =	sfence.sel $0x180000  }
0xaf: {  	[bflag:$0x0] =	sbarrier.arrive $0xFFFF  }
0xb0: {  	p0 =	sne.s32 s0, $0x0;
	_ =	strace $0x9000004A  }
0xb1: {  	s0 =	sadd.s32 @!p0 $0x100000, s1;
	[bflag:$0x2] =	sbarrier.arrive $0xFFFF  }
0xb2: {  	[sflag:s0] =	ssyncadd.tile.s32 @!p0 $0x1;
	_ =	shalt  }
.Lfunc_end2:
_tile_overlayer_lowered:
.L_overlay_start_2:
0xb3: {  	(tag) =	ssettag $0x2  }
0xb4: {  	s0 =	rddreg [dreg:$0x0];
	s2 =	stileid.u32  }
0xb5: {  	s1 =	rddreg [dreg:$0x1];
	p0 =	sne.s32 s2, $0x0  }
0xb6: {  	s3 =	rddreg [dreg:$0x2];
	[bflag:$0x3] =	sbarrier.arrive $0xFFFF;
	s2 =	simm.s32 @!p0 $0x1C02  }
0xb7: {  	[timem:s3], [sflag:s2] =	dma.local @!p0 [hbm:s0], s1  }
0xb8: {  	s0 =	simm.s32 @!p0 $0x2  }
0xb9: {  	_ =	swait.ge @!p0 [sflag:s0], s1  }
0xba: {  	s1 =	ssub.s32 @!p0 $0x0, s1;
	[sflag:s0] =	ssyncset.done @!p0 $0x0  }
0xbb: {  	[sflag:s0] =	ssyncadd.s32 @!p0 s1  }
0xbc: {  	[bflag:$0x3] =	sbarrier.arrive $0xFFFF  }
0xbd: {  	_ =	shalt  }

// kernel: kernel.14.cloned.1.call-start
scs
__scs_entry_jumppad:
0x0: {  	(pc) =	sbr.rel $0x88, $3  }
0x1: {  	(tag) =	ssettag $0x0;
	lr =	simm.s32 $0x1  }
0x2: {  	[smem:$0x3F90] =	sst lr;
	_ =	strace $0xD0000000  }
0x3: {  	_ = 	snop  }
0x4: {  	_ = 	snop  }
0x5: {  	_ = 	snop  }
0x6: {  	_ = 	snop  }
0x7: {  	_ = 	snop  }
__scs_overlays_trampoline_lowered:
0x8: {  	[smem:$0x3F9F] =	sst s0  }
0x9: {  	[smem:$0x3FA0] =	sst s1  }
0xa: {  	[smem:$0x3FA1] =	sst s2  }
0xb: {  	[smem:$0x3FA2] =	sst s3  }
0xc: {  	[smem:$0x3FA3] =	sst s4  }
0xd: {  	[smem:$0x3FA4] =	sst s5  }
0xe: {  	[smem:$0x3FA5] =	sst s6  }
0xf: {  	[smem:$0x3FA6] =	sst s7  }
0x10: {  	[smem:$0x3FA7] =	sst s8  }
0x11: {  	[smem:$0x3FA8] =	sst s9;
	s0 =	simm.s32 @!p0 $0x0  }
0x12: {  	s1 =	sld [smem:$0x3F8E];
	s0 =	simm.s32 @p0 $0x1  }
0x13: {  	[smem:$0x3FA9] =	sst s0;
	s0 =	simm.s32 @!p1 $0x0  }
0x14: {  	s2 =	sld [smem:$0x3F8D];
	s0 =	simm.s32 @p1 $0x1  }
0x15: {  	[smem:$0x3FAA] =	sst s0;
	s0 =	simm.s32 @!p2 $0x0  }
0x16: {  	s3 =	sld [smem:$0x3FDB];
	s0 =	simm.s32 @p2 $0x1  }
0x17: {  	s4 =	simm.s32 $0x1BF5;
	[smem:$0x3FAC] =	sst s0  }
0x18: {  	s0 =	sld [smem:$0x3F8F];
	_ =	swait.ge [sflag:s4], $0x0  }
0x19: {  	s7 =	sld [smem:$0x3F90]  }
0x1a: {  	s8 =	sadd.s32 $0xFFFFE003, lr  }
0x1b: {  	s9 =	sadd.s32 $0xFFFFFEF7, lr;
	s5 =	simm.s32 $0xFFFFFFFF;
	p2 =	slt.u32 s8, $0xFFFFF086  }
0x1c: {  	p1 =	slt.u32 s9, $0xF7A;
	s5 =	simm.s32 @!p2 $0x0  }
0x1d: {  	s5 =	simm.s32 @p1 $0x1;
	p0 =	seq.s32 s7, s2  }
0x1e: {  	s7 =	smul.u32 @!p0 $0xF7A, s2;
	p2 =	seq.s32 @!p0 s5, $0x0  }
0x1f: {  	s9 =	smul.u32 $0xF7A, s1;
	s8 =	simm.s32 @!p0 $0x1BF5;
	p2 =	por !p2, p0  }
0x20: {  	[sflag:s8] =	ssyncset.s32 @!p0 $0xFFFFF086;
	s6 =	sadd.s32 @!p0 s3, s7;
	s7 =	simm.s32 @!p0 $0x108  }
0x21: {  	s3 =	sadd.s32 s3, s9;
	s6 =	sadd.s32 @!p0 $0x88, s6;
	s7 =	simm.s32 @p2 $0x1082  }
0x22: {  	[simem:s7], [sflag:s8] =	dma.local @!p0 [hbm:s6], $0xF7A  }
0x23: {  	s9 =	sor.u32 $0xD0000000, s2;
	s6 =	simm.s32 $0x108;
	_ =	swait.ge @!p0 [sflag:s8], $0x0  }
0x24: {  	s3 =	sadd.s32 $0x88, s3;
	s6 =	simm.s32 @!p1 $0x1082;
	[sflag:s4] =	ssyncset.s32 $0xFFFFF086  }
0x25: {  	[simem:s6], [sflag:s4] =	dma.local [hbm:s3], $0xF7A  }
0x26: {  	[smem:$0x3F90] =	sst s1;
	(tag) =	ssettag s2;
	_ =	strace s9  }
0x27: {  	s1 =	sld [smem:$0x3FA0]  }
0x28: {  	s2 =	sld [smem:$0x3FA1]  }
0x29: {  	s4 =	sld [smem:$0x3FA3]  }
0x2a: {  	p0 =	seq.s32 s5, $0x0;
	s5 =	sld [smem:$0x3FA4]  }
0x2b: {  	s6 =	sld [smem:$0x3FA5]  }
0x2c: {  	s7 =	sld [smem:$0x3FA6]  }
0x2d: {  	s3 =	simm.s32 $0x108;
	s8 =	sld [smem:$0x3FA7]  }
0x2e: {  	s3 =	simm.s32 @!p0 $0x1082;
	s9 =	sld [smem:$0x3FA8]  }
0x2f: {  	lr =	sadd.s32 s0, s3;
	s0 =	sld [smem:$0x3F9F]  }
0x30: {  	s3 =	sld [smem:$0x3FA2]  }
0x31: {  	[smem:$0x3FAB] =	sst s10  }
0x32: {  	s10 =	sld [smem:$0x3FA9];
	_ =	sdelay $0x3  }
0x33: {  	p0 =	seq.s32 s10, $0x1;
	s10 =	sld [smem:$0x3FAB];
	_ =	sdelay $0x3  }
0x34: {  	[smem:$0x3FAB] =	sst s10  }
0x35: {  	s10 =	sld [smem:$0x3FAA];
	_ =	sdelay $0x3  }
0x36: {  	p1 =	seq.s32 s10, $0x1;
	s10 =	sld [smem:$0x3FAB];
	_ =	sdelay $0x3  }
0x37: {  	[smem:$0x3FAB] =	sst s10  }
0x38: {  	s10 =	sld [smem:$0x3FAC]  }
0x39: {  	_ = 	snop;
	(pc) =	sbr.ind lr, $3  }
0x3a: {  	_ = 	snop  }
0x3b: {  	_ = 	snop  }
0x3c: {  	p2 =	seq.s32 s10, $0x1;
	s10 =	sld [smem:$0x3FAB]  }
0x3d: {  	_ =	shalt  }
0x3e: {  	_ =	shalt  }
0x3f: {  	_ =	shalt  }
0x40: {  	_ =	shalt  }
0x41: {  	_ =	shalt  }
0x42: {  	_ =	shalt  }
0x43: {  	_ =	shalt  }
0x44: {  	_ =	shalt  }
0x45: {  	_ =	shalt  }
0x46: {  	_ =	shalt  }
0x47: {  	_ =	shalt  }
0x48: {  	_ =	shalt  }
0x49: {  	_ =	shalt  }
0x4a: {  	_ =	shalt  }
0x4b: {  	_ =	shalt  }
0x4c: {  	_ =	shalt  }
0x4d: {  	_ =	shalt  }
0x4e: {  	_ =	shalt  }
0x4f: {  	_ =	shalt  }
0x50: {  	_ =	shalt  }
0x51: {  	_ =	shalt  }
0x52: {  	_ =	shalt  }
0x53: {  	_ =	shalt  }
0x54: {  	_ =	shalt  }
0x55: {  	_ =	shalt  }
0x56: {  	_ =	shalt  }
0x57: {  	_ =	shalt  }
0x58: {  	_ =	shalt  }
0x59: {  	_ =	shalt  }
0x5a: {  	_ =	shalt  }
0x5b: {  	_ =	shalt  }
0x5c: {  	_ =	shalt  }
0x5d: {  	_ =	shalt  }
0x5e: {  	_ =	shalt  }
0x5f: {  	_ =	shalt  }
0x60: {  	_ =	shalt  }
0x61: {  	_ =	shalt  }
0x62: {  	_ =	shalt  }
0x63: {  	_ =	shalt  }
0x64: {  	_ =	shalt  }
0x65: {  	_ =	shalt  }
0x66: {  	_ =	shalt  }
0x67: {  	_ =	shalt  }
0x68: {  	_ =	shalt  }
0x69: {  	_ =	shalt  }
0x6a: {  	_ =	shalt  }
0x6b: {  	_ =	shalt  }
0x6c: {  	_ =	shalt  }
0x6d: {  	_ =	shalt  }
0x6e: {  	_ =	shalt  }
0x6f: {  	_ =	shalt  }
0x70: {  	_ =	shalt  }
0x71: {  	_ =	shalt  }
0x72: {  	_ =	shalt  }
0x73: {  	_ =	shalt  }
0x74: {  	_ =	shalt  }
0x75: {  	_ =	shalt  }
0x76: {  	_ =	shalt  }
0x77: {  	_ =	shalt  }
0x78: {  	_ =	shalt  }
0x79: {  	_ =	shalt  }
0x7a: {  	_ =	shalt  }
0x7b: {  	_ =	shalt  }
0x7c: {  	_ =	shalt  }
0x7d: {  	_ =	shalt  }
0x7e: {  	_ =	shalt  }
0x7f: {  	_ =	shalt  }
0x80: {  	_ =	shalt  }
0x81: {  	_ =	shalt  }
0x82: {  	_ =	shalt  }
0x83: {  	_ =	shalt  }
0x84: {  	_ =	shalt  }
0x85: {  	_ =	shalt  }
0x86: {  	_ =	shalt  }
0x87: {  	_ =	shalt  }
.Lfunc_end0:
.L_simem_size_0:
called_computation.2_lowered:
.L_overlay_start_0:
0x88: {  	s2 =	sld [smem:$0x3FD9]  }
0x89: {  	s3 =	sld [smem:$0x3FFE];
	_ =	sdelay $0x1  }
0x8a: {  	s1 =	srdreg.scid  }
0x8b: {  	s0 =	sand.u32 $0x1, s1  }
0x8c: {  	s16 =	sshll.u32 s0, $0xA;
	s2 =	sadd.s32 s3, s2  }
0x8d: {  	s2 =	sadd.s32 s2, s16  }
0x8e: {  	[smem:$0x3FB7] =	sst s2  }
0x8f: {  	_ = 	snop  }
0x90: {  	(tm) =	ssettm $0x1  }
0x91: {  	s17 =	sld [smem:$0x3FFB];
	_ =	sdelay $0x3  }
0x92: {  	_ =	strace s17  }
0x93: {  	s2 =	sld [smem:$0x3FFC];
	_ =	sdelay $0x3  }
0x94: {  	_ =	strace s2  }
0x95: {  	s2 =	sld [smem:$0x3FFD];
	_ =	sdelay $0x3  }
0x96: {  	_ =	strace s2  }
0x97: {  	_ =	strace $0x8FFFFFFF  }
0x98: {  	s18 =	sld [smem:$0x3FDB];
	_ =	sdelay $0x1  }
0x99: {  	s19 =	simm.s32 $_scs_section_size  }
0x9a: {  	s4 =	simm.s32 $_size__tile_overlayer_lowered;
	s5 =	simm.s32 $_tile_overlayer_lowered  }
0x9b: {  	s22 =	simm.s32 $0x1BFF;
	s21 =	sshll.u32 s5, $0x1;
	s2 =	sadd.s32 s19, s18  }
0x9c: {  	s6 =	simm.s32 $0x0;
	s20 =	sshll.u32 s4, $0x1;
	s4 =	sadd.s32 s21, s2  }
0x9d: {  	[timem:s6], [sflag:s22] =	dma.local [hbm:s4], s20  }
0x9e: {  	_ =	swait.ge [sflag:s22], s20  }
0x9f: {  	s3 =	ssub.s32 $0x0, s20;
	[sflag:s22] =	ssyncset.done $0x0  }
0xa0: {  	[sflag:s22] =	ssyncadd.s32 s3;
	_ =	sdelay $0x1  }
0xa1: {  	s23 =	simm.s32 $0x1B8B  }
0xa2: {  	_ =	swait.ge [sflag:s23], $0x1  }
0xa3: {  	[sflag:s23] =	ssyncset.done $0x0  }
0xa4: {  	s25 =	simm.s32 $0x1B8E;
	s24 =	sld [smem:$0x3FFE];
	[sflag:s23] =	ssyncadd.s32 $0xFFFFFFFF  }
0xa5: {  	s26 =	simm.s32 $execute0_lowered;
	[smem:$0x3FD2] =	sst s25  }
0xa6: {  	s4 =	sshll.u32 s26, $0x1;
	_ =	strace $0x8000004C;
	[dreg:$0x1] =	wrdreg $0xFFFFFFFF  }
0xa7: {  	s28 =	simm.s32 $_size_execute0_lowered;
	s2 =	sadd.s32 s2, s4;
	[dreg:$0x0] =	wrdreg $0x0  }
0xa8: {  	s4 =	sshll.u32 s28, $0x1;
	[dreg:$0x2] =	wrdreg s2  }
0xa9: {  	[dreg:$0x3] =	wrdreg s4  }
0xaa: {  	[dreg:$0x4] =	wrdreg $0xC0  }
0xab: {  	_ =	task [dreg:s6], $0x5FFFF  }
0xac: {  	[dreg:$0x1] =	wrdreg $0xFFFFFFFF  }
0xad: {  	[dreg:$0x0] =	wrdreg $0x60  }
0xae: {  	[dreg:$0x2] =	wrdreg s24  }
0xaf: {  	[dreg:$0x3] =	wrdreg $0x9F800  }
0xb0: {  	[dreg:$0x4] =	wrdreg $0x9  }
0xb1: {  	_ =	task.clear_ibuf [dreg:s6], $0x5FFFF;
	_ =	strace $0x9000004C  }
0xb2: {  	s29 =	simm.s32 $0x9;
	_ =	strace $0x8000004E  }
0xb3: {  	_ =	swait.ge [sflag:s29], $0x1  }
0xb4: {  	[sflag:s29] =	ssyncadd.s32 $0xFFFFFFFF  }
0xb5: {  	_ =	strace $0x9000004E  }
0xb6: {  	_ =	sfence  }
0xb7: {  	s30 =	sld [smem:$0x0];
	_ =	sdelay $0x2  }
0xb8: {  	s31 =	sshll.u32 s1, $0xD;
	s1 =	sshrl.u32 s1, $0x2  }
0xb9: {  	s3 =	sand.u32 $0x4000, s31;
	s1 =	sadd.s32 s1, s30  }
0xba: {  	s0 =	sor.u32 s3, s0;
	s1 =	sshll.u32 s1, $0x11  }
0xbb: {  	s0 =	sor.u32 s1, s0  }
0xbc: {  	s0 =	sadd.s32 $0x8F2B, s0  }
0xbd: {  	[sflag:s0] =	ssyncadd.remote.s32 $0x1  }
0xbe: {  	_ =	sfence.sel $0xFFFF  }
0xbf: {  	[dreg:$0x0] =	wrdreg $0xFFFFFFFF;
	(pc) =	sbr.abs _section_cstart, $3  }
0xc0: {  	[dreg:$0x1] =	wrdreg $0xFFFFFFFF  }
0xc1: {  	_ =	task.clear_ibuf [dreg:s6], $0x2FFFF;
	_ =	strace $0x9FFFFFFF  }
0xc2: {  	(tm) =	ssettm $0x7FFFFFFF  }
0xc3: {  	_ =	shalt  }
tec
execute0_lowered:
.L_overlay_start_1:
0x0: {  	(tag) =	ssettag $0x1  }
0x1: {  	s1 =	srdreg.scid  }
0x2: {  	s0 =	stileid.u32;
	s9 =	rddreg [dreg:$0x0]  }
0x3: {  	s2 =	rddreg [dreg:$0x1];
	s3 =	simm.s32 $0x0;
	s19 =	simm.s32 $0x7780  }
0x4: {  	s20 =	simm.s32 $0x1;
	s21 =	simm.s32 $0x4F00;
	s6 =	smul.u32 $0x2710, s0  }
0x5: {  	s5 =	sand.u32 $0x1, s1;
	s1 =	rddreg [dreg:$0x2];
	s11 =	smul.u32 $0x2700, s0  }
0x6: {  	s22 =	simm.s32 $0x0;
	[smem:$0x7FF] =	sst s3;
	s13 =	smul.u32 $0x4E000, s0  }
0x7: {  	s15 =	sadd.s32 $0xD5400, s9;
	s28 =	sshll.u32 s0, $0x6;
	s18 =	sadd.s32 $0x138000, s2  }
0x8: {  	p0 =	sne.s32 s0, $0xF;
	s10 =	smul.u32 $0x27100, s5;
	s8 =	ssub.s32 $0x2, s5  }
0x9: {  	_ =	strace $0x8000004D;
	s29 =	smul.u32 $0x138800, s5;
	s25 =	sshrl.u32 s8, $0x1  }
0xa: {  	s14 =	sadd.s32 s11, s9;
	s26 =	sshrl.u32 s13, $0x2;
	s4 =	sadd.s32 s6, s10  }
0xb: {  	s6 =	sshrl.u32 s6, $0x3;
	s16 =	ssub.s32 s8, s25;
	s17 =	sadd.s32 s26, s2  }
0xc: {  	s5 =	sadd.s32 $0xA4400, s14;
	s30 =	sshrl.u32 s29, $0x3;
	s10 =	sadd.s32 s11, s10  }
0xd: {  	s14 =	simm.s32 $0x2;
	s7 =	sshrl.u32 s4, $0x3;
	s4 =	sadd.s32 $0x8000, s9  }
0xe: {  	s12 =	sadd.s32 s6, s9;
	s6 =	sor.u32 $0x1C02, s28;
	s31 =	sadd.s32 s15, s30  }
0xf: {  	s10 =	sadd.s32 s15, s10;
	s13 =	sshrl.u32 s17, $0x3;
	s15 =	simm.s32 $0x2780  }
0x10: {  	s17 =	simm.s32 $0x50;
	s7 =	sadd.s32 s7, s9;
	s8 =	sadd.s32 $0x3000, s12  }
0x11: {  	s9 =	sadd.s32 $0xCB400, s9;
	s11 =	sadd.s32 $0x27000, s31;
	s12 =	smax.u32 s16, $0x1  }
0x12: {  	s16 =	sshrl.u32 @!p0 s18, $0x3;
	s18 =	simm.s32 $0x4F80;
	s7 =	sadd.s32 $0xCB600, s7  }
.LBB2_1:
0x13: {  	[spmem:s13], [sflag:s6] =	dma.local [hbm:s5], $0x2700  }
0x14: {  	_ =	swait.ge [sflag:s14], $0x2700  }
0x15: {  	[sflag:s14] =	ssyncset.done $0x0  }
0x16: {  	[sflag:s14] =	ssyncadd.s32 $0xFFFFD900  }
0x17: {  	[tilespmem:s3], [sflag:$0x2] =	stream.linear.gather [hbm4b:s7+s3], $0x2710, $0x38;
	[tilespmem:$0x1D800] =	vst v63  }
0x18: {  	_ =	swait.ge [sflag:s14], $0x2710  }
0x19: {  	[sflag:s14] =	ssyncset.done $0x0  }
0x1a: {  	[sflag:s14] =	ssyncadd.s32 $0xFFFFD8F0  }
0x1b: {  	[tilespmem:s15], [sflag:$0x2] =	stream.linear.gather [hbm4b:s8+s3], $0x2710, $0x38;
	[tilespmem:$0x1D800] =	vst v63  }
0x1c: {  	_ =	swait.ge [sflag:s14], $0x2710  }
0x1d: {  	[sflag:s14] =	ssyncset.done $0x0  }
0x1e: {  	s23 =	simm.s32 @!p0 $0x2;
	[sflag:s14] =	ssyncadd.s32 $0xFFFFD8F0  }
0x1f: {  	[spmem:s16], [sflag:s6] =	dma.local @!p0 [hbm:s9], $0x100  }
0x20: {  	_ =	swait.ge @!p0 [sflag:s23], $0x100  }
0x21: {  	[sflag:s23] =	ssyncset.done @!p0 $0x0  }
0x22: {  	[sflag:s23] =	ssyncadd.s32 @!p0 $0xFFFFFF00  }
0x23: {  	[bflag:$0x0] =	sbarrier.arrive $0xFFFF  }
0x24: {  	[tilespmem:s18], [sflag:$0x1] =	stream.indirect.gather [hbm4b:s4+s17], $0x80, s3, s17, $0xb8;
	[tilespmem:$0x1D800] =	vst v63  }
0x25: {  	s30 =	simm.s32 $0x50  }
0x26: {  	[tilespmem:s19], [sflag:$0x1] =	stream.indirect.gather [hbm4b:s4+s17], $0x80, s30, s17, $0xb8;
	[tilespmem:$0x1D800] =	vst v63  }
0x27: {  	_ =	swait.ge [sflag:s20], $0x2800  }
0x28: {  	[sflag:s20] =	ssyncset.done $0x0  }
0x29: {  	s23 =	simm.s32 $0x27D0;
	[sflag:s20] =	ssyncadd.s32 $0xFFFFD800  }
0x2a: {  	v0 =	vld [tilespmem:s23+$0xFFFFFFB0];
	_ =	sdelay $0x4  }
0x2b: {  	[tilespmem:$0x4F00] =	vst v0  }
0x2c: {  	v0 =	vld [tilespmem:s23+$0xFFFFFFC0];
	_ =	sdelay $0x4  }
0x2d: {  	[tilespmem:$0x4F10] =	vst v0  }
0x2e: {  	v0 =	vld [tilespmem:s23+$0xFFFFFFD0];
	_ =	sdelay $0x4  }
0x2f: {  	[tilespmem:$0x4F20] =	vst v0  }
0x30: {  	v0 =	vld [tilespmem:s23+$0xFFFFFFE0];
	_ =	sdelay $0x4  }
0x31: {  	[tilespmem:$0x4F30] =	vst v0  }
0x32: {  	v0 =	vld [tilespmem:s23+$0xFFFFFFF0];
	_ =	sdelay $0x4  }
0x33: {  	[tilespmem:$0x4F40] =	vst v0  }
0x34: {  	[spmem:s2] =	stream.indirect.scatter.add.f32 [tilespmem:s18], [sflag:$0x2], $0x80, s21, s17, $0xb8;
	[tilespmem:$0x1D800] =	vst v63  }
0x35: {  	_ =	swait.ge [sflag:s14], $0x2800  }
0x36: {  	[sflag:s14] =	ssyncset.done $0x0  }
0x37: {  	s24 =	simm.s32 $0xA0;
	[sflag:s14] =	ssyncadd.s32 $0xFFFFD800  }
0x38: {  	[tilespmem:s18], [sflag:$0x1] =	stream.indirect.gather [hbm4b:s4+s17], $0x80, s24, s17, $0xb8;
	[tilespmem:$0x1D800] =	vst v63  }
0x39: {  	_ =	swait.ge [sflag:s20], $0x2800  }
0x3a: {  	[sflag:s20] =	ssyncset.done $0x0  }
0x3b: {  	[sflag:s20] =	ssyncadd.s32 $0xFFFFD800  }
0x3c: {  	v63 =	vld [tilespmem:s23+$0x0];
	_ =	sdelay $0x4  }
0x3d: {  	[tilespmem:$0x4F00] =	vst v63  }
0x3e: {  	v0 =	vld [tilespmem:s23+$0x10];
	_ =	sdelay $0x4  }
0x3f: {  	[tilespmem:$0x4F10] =	vst v0  }
0x40: {  	v0 =	vld [tilespmem:s23+$0x20];
	_ =	sdelay $0x4  }
0x41: {  	s31 =	sand.u32 $0x3FE0, s3;
	[tilespmem:$0x4F20] =	vst v0  }
0x42: {  	v0 =	vld [tilespmem:s31+$0x2800];
	_ =	sdelay $0x4  }
0x43: {  	[tilespmem:$0x4F30] =	vst v0  }
0x44: {  	v0 =	vld [tilespmem:s23+$0x40];
	_ =	sdelay $0x4  }
0x45: {  	[tilespmem:$0x4F40] =	vst v0  }
0x46: {  	[spmem:s2] =	stream.indirect.scatter.add.f32 [tilespmem:s19], [sflag:$0x2], $0x80, s21, s17, $0xb8;
	[tilespmem:$0x1D800] =	vst v63  }
0x47: {  	s26 =	simm.s32 $0x140;
	_ =	swait.ge [sflag:s14], $0x2800  }
0x48: {  	s25 =	simm.s32 $0x140;
	s24 =	simm.s32 $0xA0;
	[sflag:s14] =	ssyncset.done $0x0  }
.LBB2_2:
0x49: {  	s29 =	sadd.s32 $0xFFFFFFB0, s25  }
0x4a: {  	[sflag:s14] =	ssyncadd.s32 $0xFFFFD800;
	s23 =	sadd.s32 $0xA0, s23;
	s28 =	smov.u32 s26  }
0x4b: {  	[tilespmem:s19], [sflag:$0x1] =	stream.indirect.gather [hbm4b:s4+s17], $0x80, s29, s17, $0xb8;
	[tilespmem:$0x1D800] =	vst v63  }
0x4c: {  	p1 =	sne.s32 s26, $0x2620;
	s26 =	sadd.s32 $0xA0, s26;
	_ =	swait.ge [sflag:s20], $0x2800  }
0x4d: {  	[sflag:s20] =	ssyncset.done $0x0  }
0x4e: {  	[sflag:s20] =	ssyncadd.s32 $0xFFFFD800  }
0x4f: {  	v0 =	vld [tilespmem:s23+$0xFFFFFFB0];
	_ =	sdelay $0x4  }
0x50: {  	[tilespmem:$0x4F00] =	vst v0  }
0x51: {  	v0 =	vld [tilespmem:s23+$0xFFFFFFC0];
	_ =	sdelay $0x4  }
0x52: {  	[tilespmem:$0x4F10] =	vst v0  }
0x53: {  	v0 =	vld [tilespmem:s23+$0xFFFFFFD0];
	_ =	sdelay $0x4  }
0x54: {  	[tilespmem:$0x4F20] =	vst v0  }
0x55: {  	v0 =	vld [tilespmem:s23+$0xFFFFFFE0];
	_ =	sdelay $0x4  }
0x56: {  	[tilespmem:$0x4F30] =	vst v0  }
0x57: {  	v0 =	vld [tilespmem:s23+$0xFFFFFFF0];
	_ =	sdelay $0x4  }
0x58: {  	[tilespmem:$0x4F40] =	vst v0  }
0x59: {  	[spmem:s2] =	stream.indirect.scatter.add.f32 [tilespmem:s18], [sflag:$0x2], $0x80, s21, s17, $0xb8;
	[tilespmem:$0x1D800] =	vst v63  }
0x5a: {  	_ =	swait.ge [sflag:s14], $0x2800  }
0x5b: {  	[sflag:s14] =	ssyncset.done $0x0  }
0x5c: {  	[sflag:s14] =	ssyncadd.s32 $0xFFFFD800  }
0x5d: {  	[tilespmem:s18], [sflag:$0x1] =	stream.indirect.gather [hbm4b:s4+s17], $0x80, s25, s17, $0xb8;
	[tilespmem:$0x1D800] =	vst v63  }
0x5e: {  	_ =	swait.ge [sflag:s20], $0x2800  }
0x5f: {  	[sflag:s20] =	ssyncset.done $0x0  }
0x60: {  	[sflag:s20] =	ssyncadd.s32 $0xFFFFD800  }
0x61: {  	v0 =	vld [tilespmem:s23+$0x0];
	_ =	sdelay $0x4  }
0x62: {  	[tilespmem:$0x4F00] =	vst v0  }
0x63: {  	v0 =	vld [tilespmem:s23+$0x10];
	_ =	sdelay $0x4  }
0x64: {  	[tilespmem:$0x4F10] =	vst v0  }
0x65: {  	v0 =	vld [tilespmem:s23+$0x20];
	_ =	sdelay $0x4  }
0x66: {  	s29 =	sand.u32 $0x3FE0, s24;
	s24 =	smov.u32 s28;
	[tilespmem:$0x4F20] =	vst v0  }
0x67: {  	v0 =	vld [tilespmem:s29+$0x2800];
	_ =	sdelay $0x4  }
0x68: {  	[tilespmem:$0x4F30] =	vst v0  }
0x69: {  	v0 =	vld [tilespmem:s23+$0x40];
	_ =	sdelay $0x3  }
.Ltmp0:
0x6a: {  	(pc) =	sbr.rel @p1 .LBB2_2-.Ltmp0, $4  }
0x6b: {  	[tilespmem:$0x4F40] =	vst v0  }
0x6c: {  	[spmem:s2] =	stream.indirect.scatter.add.f32 [tilespmem:s19], [sflag:$0x2], $0x80, s21, s17, $0xb8;
	[tilespmem:$0x1D800] =	vst v63  }
0x6d: {  	_ =	swait.ge [sflag:s14], $0x2800  }
0x6e: {  	s25 =	sadd.s32 $0xA0, s25;
	[sflag:s14] =	ssyncset.done $0x0  }
0x6f: {  	s26 =	sadd.s32 $0xFFFFFFB0, s25;
	[sflag:s14] =	ssyncadd.s32 $0xFFFFD800  }
0x70: {  	[tilespmem:s19], [sflag:$0x1] =	stream.indirect.gather [hbm4b:s4+s17], $0x80, s26, s17, $0xb8;
	[tilespmem:$0x1D800] =	vst v63  }
0x71: {  	_ =	swait.ge [sflag:s20], $0x2800  }
0x72: {  	[sflag:s20] =	ssyncset.done $0x0  }
0x73: {  	s23 =	sadd.s32 $0xA0, s23;
	[sflag:s20] =	ssyncadd.s32 $0xFFFFD800  }
0x74: {  	v0 =	vld [tilespmem:s23+$0xFFFFFFB0];
	_ =	sdelay $0x4  }
0x75: {  	[tilespmem:$0x4F00] =	vst v0  }
0x76: {  	v0 =	vld [tilespmem:s23+$0xFFFFFFC0];
	_ =	sdelay $0x4  }
0x77: {  	[tilespmem:$0x4F10] =	vst v0  }
0x78: {  	v0 =	vld [tilespmem:s23+$0xFFFFFFD0];
	_ =	sdelay $0x4  }
0x79: {  	[tilespmem:$0x4F20] =	vst v0  }
0x7a: {  	v0 =	vld [tilespmem:s23+$0xFFFFFFE0];
	_ =	sdelay $0x4  }
0x7b: {  	[tilespmem:$0x4F30] =	vst v0  }
0x7c: {  	v0 =	vld [tilespmem:s23+$0xFFFFFFF0];
	_ =	sdelay $0x4  }
0x7d: {  	[tilespmem:$0x4F40] =	vst v0  }
0x7e: {  	[spmem:s2] =	stream.indirect.scatter.add.f32 [tilespmem:s18], [sflag:$0x2], $0x80, s21, s17, $0xb8;
	[tilespmem:$0x1D800] =	vst v63  }
0x7f: {  	_ =	swait.ge [sflag:s14], $0x2800  }
0x80: {  	[sflag:s14] =	ssyncset.done $0x0  }
0x81: {  	[sflag:s14] =	ssyncadd.s32 $0xFFFFD800  }
0x82: {  	[tilespmem:s18], [sflag:$0x1] =	stream.indirect.gather [hbm4b:s4+s17], $0x80, s25, s17, $0xb8;
	[tilespmem:$0x1D800] =	vst v63  }
0x83: {  	_ =	swait.ge [sflag:s20], $0x2800  }
0x84: {  	[sflag:s20] =	ssyncset.done $0x0  }
0x85: {  	[sflag:s20] =	ssyncadd.s32 $0xFFFFD800  }
0x86: {  	v62 =	vld [tilespmem:s23+$0x0];
	_ =	sdelay $0x4  }
0x87: {  	[tilespmem:$0x4F00] =	vst v62  }
0x88: {  	v0 =	vld [tilespmem:s23+$0x10];
	_ =	sdelay $0x4  }
0x89: {  	[tilespmem:$0x4F10] =	vst v0  }
0x8a: {  	v0 =	vld [tilespmem:s23+$0x20];
	_ =	sdelay $0x4  }
0x8b: {  	s24 =	sand.u32 $0x3FE0, s24;
	[tilespmem:$0x4F20] =	vst v0  }
0x8c: {  	v0 =	vld [tilespmem:s24+$0x2800];
	_ =	sdelay $0x4  }
0x8d: {  	[tilespmem:$0x4F30] =	vst v0  }
0x8e: {  	v0 =	vld [tilespmem:s23+$0x40];
	_ =	sdelay $0x4  }
0x8f: {  	[tilespmem:$0x4F40] =	vst v0  }
0x90: {  	[spmem:s2] =	stream.indirect.scatter.add.f32 [tilespmem:s19], [sflag:$0x2], $0x80, s21, s17, $0xb8;
	[tilespmem:$0x1D800] =	vst v63  }
0x91: {  	_ =	swait.ge [sflag:s14], $0x2800  }
0x92: {  	[sflag:s14] =	ssyncset.done $0x0  }
0x93: {  	[sflag:s14] =	ssyncadd.s32 $0xFFFFD800  }
0x94: {  	_ =	swait.ge [sflag:s20], $0x2800  }
0x95: {  	[sflag:s20] =	ssyncset.done $0x0  }
0x96: {  	[sflag:s20] =	ssyncadd.s32 $0xFFFFD800  }
0x97: {  	v63 =	vld [tilespmem:$0x4E40]  }
0x98: {  	v1 =	vld [tilespmem:$0x4E50]  }
0x99: {  	v2 =	vld [tilespmem:$0x4E60]  }
0x9a: {  	v3 =	vld [tilespmem:$0x4E70]  }
0x9b: {  	v4 =	vld [tilespmem:$0x4E80]  }
0x9c: {  	[tilespmem:$0x4F00] =	vst v63  }
0x9d: {  	[tilespmem:$0x4F10] =	vst v1  }
0x9e: {  	[tilespmem:$0x4F20] =	vst v2  }
0x9f: {  	[tilespmem:$0x4F30] =	vst v3  }
0xa0: {  	[tilespmem:$0x4F40] =	vst v4  }
0xa1: {  	[spmem:s2] =	stream.indirect.scatter.add.f32 [tilespmem:s18], [sflag:$0x2], $0x80, s21, s17, $0xb8;
	[tilespmem:$0x1D800] =	vst v63  }
0xa2: {  	_ =	swait.ge [sflag:s14], $0x2800  }
0xa3: {  	[sflag:s14] =	ssyncset.done $0x0  }
0xa4: {  	[sflag:s14] =	ssyncadd.s32 $0xFFFFD800  }
0xa5: {  	[bflag:$0x0] =	sbarrier.arrive $0xFFFF  }
0xa6: {  	[hbm:s10], [sflag:s6] =	dma.local [spmem:s13], $0x2700  }
0xa7: {  	s22 =	sadd.s32 $0x1, s22;
	_ =	swait.ge [sflag:s14], $0x2700  }
0xa8: {  	p1 =	sne.s32 s22, s12;
	[sflag:s14] =	ssyncset.done $0x0  }
.Ltmp1:
0xa9: {  	s23 =	simm.s32 @!p0 $0x2;
	[sflag:s14] =	ssyncadd.s32 $0xFFFFD900;
	(pc) =	sbr.rel @p1 .LBB2_1-.Ltmp1, $4  }
0xaa: {  	[hbm:s11], [sflag:s6] =	dma.local @!p0 [spmem:s16], $0x100  }
0xab: {  	_ =	swait.ge @!p0 [sflag:s23], $0x100  }
0xac: {  	[sflag:s23] =	ssyncset.done @!p0 $0x0  }
0xad: {  	[sflag:s23] =	ssyncadd.s32 @!p0 $0xFFFFFF00  }
0xae: {  	_ =	sfence.sel $0x180000  }
0xaf: {  	[bflag:$0x0] =	sbarrier.arrive $0xFFFF  }
0xb0: {  	p0 =	sne.s32 s0, $0x0;
	_ =	strace $0x9000004D  }
0xb1: {  	s0 =	sadd.s32 @!p0 $0x100000, s1;
	[bflag:$0x2] =	sbarrier.arrive $0xFFFF  }
0xb2: {  	[sflag:s0] =	ssyncadd.tile.s32 @!p0 $0x1;
	_ =	shalt  }
.Lfunc_end2:
_tile_overlayer_lowered:
.L_overlay_start_2:
0xb3: {  	(tag) =	ssettag $0x2  }
0xb4: {  	s0 =	rddreg [dreg:$0x0];
	s2 =	stileid.u32  }
0xb5: {  	s1 =	rddreg [dreg:$0x1];
	p0 =	sne.s32 s2, $0x0  }
0xb6: {  	s3 =	rddreg [dreg:$0x2];
	[bflag:$0x3] =	sbarrier.arrive $0xFFFF;
	s2 =	simm.s32 @!p0 $0x1C02  }
0xb7: {  	[timem:s3], [sflag:s2] =	dma.local @!p0 [hbm:s0], s1  }
0xb8: {  	s0 =	simm.s32 @!p0 $0x2  }
0xb9: {  	_ =	swait.ge @!p0 [sflag:s0], s1  }
0xba: {  	s1 =	ssub.s32 @!p0 $0x0, s1;
	[sflag:s0] =	ssyncset.done @!p0 $0x0  }
0xbb: {  	[sflag:s0] =	ssyncadd.s32 @!p0 s1  }
0xbc: {  	[bflag:$0x3] =	sbarrier.arrive $0xFFFF  }
0xbd: {  	_ =	shalt  }

// kernel: kernel.8.cloned.1.call-start
scs
__scs_entry_jumppad:
0x0: {  	(pc) =	sbr.rel $0x88, $3  }
0x1: {  	(tag) =	ssettag $0x0;
	lr =	simm.s32 $0x1  }
0x2: {  	[smem:$0x3F90] =	sst lr;
	_ =	strace $0xD0000000  }
0x3: {  	_ = 	snop  }
0x4: {  	_ = 	snop  }
0x5: {  	_ = 	snop  }
0x6: {  	_ = 	snop  }
0x7: {  	_ = 	snop  }
__scs_overlays_trampoline_lowered:
0x8: {  	[smem:$0x3F9F] =	sst s0  }
0x9: {  	[smem:$0x3FA0] =	sst s1  }
0xa: {  	[smem:$0x3FA1] =	sst s2  }
0xb: {  	[smem:$0x3FA2] =	sst s3  }
0xc: {  	[smem:$0x3FA3] =	sst s4  }
0xd: {  	[smem:$0x3FA4] =	sst s5  }
0xe: {  	[smem:$0x3FA5] =	sst s6  }
0xf: {  	[smem:$0x3FA6] =	sst s7  }
0x10: {  	[smem:$0x3FA7] =	sst s8  }
0x11: {  	[smem:$0x3FA8] =	sst s9;
	s0 =	simm.s32 @!p0 $0x0  }
0x12: {  	s1 =	sld [smem:$0x3F8E];
	s0 =	simm.s32 @p0 $0x1  }
0x13: {  	[smem:$0x3FA9] =	sst s0;
	s0 =	simm.s32 @!p1 $0x0  }
0x14: {  	s2 =	sld [smem:$0x3F8D];
	s0 =	simm.s32 @p1 $0x1  }
0x15: {  	[smem:$0x3FAA] =	sst s0;
	s0 =	simm.s32 @!p2 $0x0  }
0x16: {  	s3 =	sld [smem:$0x3FDB];
	s0 =	simm.s32 @p2 $0x1  }
0x17: {  	s4 =	simm.s32 $0x1BF5;
	[smem:$0x3FAC] =	sst s0  }
0x18: {  	s0 =	sld [smem:$0x3F8F];
	_ =	swait.ge [sflag:s4], $0x0  }
0x19: {  	s7 =	sld [smem:$0x3F90]  }
0x1a: {  	s8 =	sadd.s32 $0xFFFFE003, lr  }
0x1b: {  	s9 =	sadd.s32 $0xFFFFFEF7, lr;
	s5 =	simm.s32 $0xFFFFFFFF;
	p2 =	slt.u32 s8, $0xFFFFF086  }
0x1c: {  	p1 =	slt.u32 s9, $0xF7A;
	s5 =	simm.s32 @!p2 $0x0  }
0x1d: {  	s5 =	simm.s32 @p1 $0x1;
	p0 =	seq.s32 s7, s2  }
0x1e: {  	s7 =	smul.u32 @!p0 $0xF7A, s2;
	p2 =	seq.s32 @!p0 s5, $0x0  }
0x1f: {  	s9 =	smul.u32 $0xF7A, s1;
	s8 =	simm.s32 @!p0 $0x1BF5;
	p2 =	por !p2, p0  }
0x20: {  	[sflag:s8] =	ssyncset.s32 @!p0 $0xFFFFF086;
	s6 =	sadd.s32 @!p0 s3, s7;
	s7 =	simm.s32 @!p0 $0x108  }
0x21: {  	s3 =	sadd.s32 s3, s9;
	s6 =	sadd.s32 @!p0 $0x88, s6;
	s7 =	simm.s32 @p2 $0x1082  }
0x22: {  	[simem:s7], [sflag:s8] =	dma.local @!p0 [hbm:s6], $0xF7A  }
0x23: {  	s9 =	sor.u32 $0xD0000000, s2;
	s6 =	simm.s32 $0x108;
	_ =	swait.ge @!p0 [sflag:s8], $0x0  }
0x24: {  	s3 =	sadd.s32 $0x88, s3;
	s6 =	simm.s32 @!p1 $0x1082;
	[sflag:s4] =	ssyncset.s32 $0xFFFFF086  }
0x25: {  	[simem:s6], [sflag:s4] =	dma.local [hbm:s3], $0xF7A  }
0x26: {  	[smem:$0x3F90] =	sst s1;
	(tag) =	ssettag s2;
	_ =	strace s9  }
0x27: {  	s1 =	sld [smem:$0x3FA0]  }
0x28: {  	s2 =	sld [smem:$0x3FA1]  }
0x29: {  	s4 =	sld [smem:$0x3FA3]  }
0x2a: {  	p0 =	seq.s32 s5, $0x0;
	s5 =	sld [smem:$0x3FA4]  }
0x2b: {  	s6 =	sld [smem:$0x3FA5]  }
0x2c: {  	s7 =	sld [smem:$0x3FA6]  }
0x2d: {  	s3 =	simm.s32 $0x108;
	s8 =	sld [smem:$0x3FA7]  }
0x2e: {  	s3 =	simm.s32 @!p0 $0x1082;
	s9 =	sld [smem:$0x3FA8]  }
0x2f: {  	lr =	sadd.s32 s0, s3;
	s0 =	sld [smem:$0x3F9F]  }
0x30: {  	s3 =	sld [smem:$0x3FA2]  }
0x31: {  	[smem:$0x3FAB] =	sst s10  }
0x32: {  	s10 =	sld [smem:$0x3FA9];
	_ =	sdelay $0x3  }
0x33: {  	p0 =	seq.s32 s10, $0x1;
	s10 =	sld [smem:$0x3FAB];
	_ =	sdelay $0x3  }
0x34: {  	[smem:$0x3FAB] =	sst s10  }
0x35: {  	s10 =	sld [smem:$0x3FAA];
	_ =	sdelay $0x3  }
0x36: {  	p1 =	seq.s32 s10, $0x1;
	s10 =	sld [smem:$0x3FAB];
	_ =	sdelay $0x3  }
0x37: {  	[smem:$0x3FAB] =	sst s10  }
0x38: {  	s10 =	sld [smem:$0x3FAC]  }
0x39: {  	_ = 	snop;
	(pc) =	sbr.ind lr, $3  }
0x3a: {  	_ = 	snop  }
0x3b: {  	_ = 	snop  }
0x3c: {  	p2 =	seq.s32 s10, $0x1;
	s10 =	sld [smem:$0x3FAB]  }
0x3d: {  	_ =	shalt  }
0x3e: {  	_ =	shalt  }
0x3f: {  	_ =	shalt  }
0x40: {  	_ =	shalt  }
0x41: {  	_ =	shalt  }
0x42: {  	_ =	shalt  }
0x43: {  	_ =	shalt  }
0x44: {  	_ =	shalt  }
0x45: {  	_ =	shalt  }
0x46: {  	_ =	shalt  }
0x47: {  	_ =	shalt  }
0x48: {  	_ =	shalt  }
0x49: {  	_ =	shalt  }
0x4a: {  	_ =	shalt  }
0x4b: {  	_ =	shalt  }
0x4c: {  	_ =	shalt  }
0x4d: {  	_ =	shalt  }
0x4e: {  	_ =	shalt  }
0x4f: {  	_ =	shalt  }
0x50: {  	_ =	shalt  }
0x51: {  	_ =	shalt  }
0x52: {  	_ =	shalt  }
0x53: {  	_ =	shalt  }
0x54: {  	_ =	shalt  }
0x55: {  	_ =	shalt  }
0x56: {  	_ =	shalt  }
0x57: {  	_ =	shalt  }
0x58: {  	_ =	shalt  }
0x59: {  	_ =	shalt  }
0x5a: {  	_ =	shalt  }
0x5b: {  	_ =	shalt  }
0x5c: {  	_ =	shalt  }
0x5d: {  	_ =	shalt  }
0x5e: {  	_ =	shalt  }
0x5f: {  	_ =	shalt  }
0x60: {  	_ =	shalt  }
0x61: {  	_ =	shalt  }
0x62: {  	_ =	shalt  }
0x63: {  	_ =	shalt  }
0x64: {  	_ =	shalt  }
0x65: {  	_ =	shalt  }
0x66: {  	_ =	shalt  }
0x67: {  	_ =	shalt  }
0x68: {  	_ =	shalt  }
0x69: {  	_ =	shalt  }
0x6a: {  	_ =	shalt  }
0x6b: {  	_ =	shalt  }
0x6c: {  	_ =	shalt  }
0x6d: {  	_ =	shalt  }
0x6e: {  	_ =	shalt  }
0x6f: {  	_ =	shalt  }
0x70: {  	_ =	shalt  }
0x71: {  	_ =	shalt  }
0x72: {  	_ =	shalt  }
0x73: {  	_ =	shalt  }
0x74: {  	_ =	shalt  }
0x75: {  	_ =	shalt  }
0x76: {  	_ =	shalt  }
0x77: {  	_ =	shalt  }
0x78: {  	_ =	shalt  }
0x79: {  	_ =	shalt  }
0x7a: {  	_ =	shalt  }
0x7b: {  	_ =	shalt  }
0x7c: {  	_ =	shalt  }
0x7d: {  	_ =	shalt  }
0x7e: {  	_ =	shalt  }
0x7f: {  	_ =	shalt  }
0x80: {  	_ =	shalt  }
0x81: {  	_ =	shalt  }
0x82: {  	_ =	shalt  }
0x83: {  	_ =	shalt  }
0x84: {  	_ =	shalt  }
0x85: {  	_ =	shalt  }
0x86: {  	_ =	shalt  }
0x87: {  	_ =	shalt  }
.Lfunc_end0:
.L_simem_size_0:
called_computation_lowered:
.L_overlay_start_0:
0x88: {  	s2 =	sld [smem:$0x3FD9]  }
0x89: {  	s3 =	sld [smem:$0x3FFE];
	_ =	sdelay $0x1  }
0x8a: {  	s1 =	srdreg.scid  }
0x8b: {  	s0 =	sand.u32 $0x1, s1  }
0x8c: {  	s17 =	sshll.u32 s0, $0xA;
	s2 =	sadd.s32 s3, s2  }
0x8d: {  	s2 =	sadd.s32 s2, s17  }
0x8e: {  	[smem:$0x3FB7] =	sst s2  }
0x8f: {  	_ = 	snop  }
0x90: {  	s2 =	sld [smem:$0x3FD0];
	(tm) =	ssettm $0x1  }
0x91: {  	s18 =	sld [smem:$0x3FFB];
	_ =	sdelay $0x3  }
0x92: {  	_ =	strace s18  }
0x93: {  	s3 =	sld [smem:$0x3FFC];
	_ =	sdelay $0x3  }
0x94: {  	_ =	strace s3  }
0x95: {  	s3 =	sld [smem:$0x3FFD];
	_ =	sdelay $0x3  }
0x96: {  	_ =	strace s3  }
0x97: {  	_ =	strace $0x8FFFFFFF  }
0x98: {  	s19 =	sld [smem:$0x3FDB];
	_ =	sdelay $0x1  }
0x99: {  	s4 =	simm.s32 $_scs_section_size  }
0x9a: {  	s5 =	simm.s32 $_size__tile_overlayer_lowered;
	s6 =	simm.s32 $_tile_overlayer_lowered  }
0x9b: {  	s22 =	simm.s32 $0x1BFF;
	s21 =	sshll.u32 s6, $0x1;
	s3 =	sadd.s32 s4, s19  }
0x9c: {  	s7 =	simm.s32 $0x0;
	s20 =	sshll.u32 s5, $0x1;
	s5 =	sadd.s32 s21, s3  }
0x9d: {  	[timem:s7], [sflag:s22] =	dma.local [hbm:s5], s20  }
0x9e: {  	_ =	swait.ge [sflag:s22], s20  }
0x9f: {  	s4 =	ssub.s32 $0x0, s20;
	[sflag:s22] =	ssyncset.done $0x0  }
0xa0: {  	[sflag:s22] =	ssyncadd.s32 s4;
	_ =	sdelay $0x1  }
0xa1: {  	s23 =	simm.s32 $0x1B8B  }
0xa2: {  	_ =	swait.ge [sflag:s23], $0x1  }
0xa3: {  	[sflag:s23] =	ssyncset.done $0x0  }
0xa4: {  	s25 =	simm.s32 $0x1B8E;
	s24 =	sld [smem:$0x3FFE];
	[sflag:s23] =	ssyncadd.s32 $0xFFFFFFFF  }
0xa5: {  	s26 =	simm.s32 $execute0_lowered;
	[smem:$0x3FD2] =	sst s25  }
0xa6: {  	s5 =	sshll.u32 s26, $0x1;
	_ =	strace $0x80000046;
	[dreg:$0x1] =	wrdreg $0xFFFFFFFF  }
0xa7: {  	s28 =	simm.s32 $_size_execute0_lowered;
	s3 =	sadd.s32 s3, s5;
	[dreg:$0x0] =	wrdreg $0x0  }
0xa8: {  	s5 =	sshll.u32 s28, $0x1;
	[dreg:$0x2] =	wrdreg s3  }
0xa9: {  	[dreg:$0x3] =	wrdreg s5  }
0xaa: {  	[dreg:$0x4] =	wrdreg $0xC0  }
0xab: {  	_ =	task [dreg:s7], $0x5FFFF  }
0xac: {  	[dreg:$0x1] =	wrdreg $0xFFFFFFFF  }
0xad: {  	[dreg:$0x0] =	wrdreg $0x60  }
0xae: {  	[dreg:$0x2] =	wrdreg s24  }
0xaf: {  	[dreg:$0x3] =	wrdreg s2  }
0xb0: {  	[dreg:$0x4] =	wrdreg $0x50000  }
0xb1: {  	[dreg:$0x5] =	wrdreg $0x9  }
0xb2: {  	_ =	task.clear_ibuf [dreg:s7], $0x6FFFF;
	_ =	strace $0x90000046  }
0xb3: {  	s29 =	simm.s32 $0x9;
	_ =	strace $0x80000048  }
0xb4: {  	_ =	swait.ge [sflag:s29], $0x1  }
0xb5: {  	[sflag:s29] =	ssyncadd.s32 $0xFFFFFFFF  }
0xb6: {  	_ =	strace $0x90000048  }
0xb7: {  	_ =	sfence  }
0xb8: {  	s30 =	sld [smem:$0x0];
	_ =	sdelay $0x2  }
0xb9: {  	s31 =	sshll.u32 s1, $0xD;
	s1 =	sshrl.u32 s1, $0x2  }
0xba: {  	s3 =	sand.u32 $0x4000, s31;
	s1 =	sadd.s32 s1, s30  }
0xbb: {  	s0 =	sor.u32 s3, s0;
	s1 =	sshll.u32 s1, $0x11  }
0xbc: {  	s0 =	sor.u32 s1, s0  }
0xbd: {  	s0 =	sadd.s32 $0x8F2B, s0  }
0xbe: {  	[sflag:s0] =	ssyncadd.remote.s32 $0x1  }
0xbf: {  	_ =	sfence.sel $0xFFFF  }
0xc0: {  	[dreg:$0x0] =	wrdreg $0xFFFFFFFF;
	(pc) =	sbr.abs _section_cstart, $3  }
0xc1: {  	[dreg:$0x1] =	wrdreg $0xFFFFFFFF  }
0xc2: {  	_ =	task.clear_ibuf [dreg:s7], $0x2FFFF;
	_ =	strace $0x9FFFFFFF  }
0xc3: {  	(tm) =	ssettm $0x7FFFFFFF  }
tec
execute0_lowered:
.L_overlay_start_1:
0x0: {  	(tag) =	ssettag $0x1  }
0x1: {  	s8 =	rddreg [dreg:$0x0]  }
0x2: {  	s2 =	rddreg [dreg:$0x1]  }
0x3: {  	s3 =	rddreg [dreg:$0x2]  }
0x4: {  	s0 =	rddreg [dreg:$0x3]  }
0x5: {  	s4 =	simm.s32 $0x0;
	s1 =	stileid.u32;
	s6 =	srdreg.scid  }
0x6: {  	s17 =	simm.s32 $0x2780;
	s18 =	simm.s32 $0x0;
	s5 =	smul.u32 $0x4E2, s1  }
0x7: {  	[smem:$0x7FF] =	sst s4;
	s9 =	smul.u32 $0x2700, s1;
	s6 =	sand.u32 $0x1, s6  }
0x8: {  	s7 =	smul.u32 $0x4E000, s1;
	s12 =	sadd.s32 $0x2F200, s8;
	s30 =	sshll.u32 s1, $0x6  }
0x9: {  	s16 =	sadd.s32 $0x138000, s3;
	p0 =	sne.s32 s1, $0xF;
	s14 =	smul.u32 $0x138800, s6  }
0xa: {  	_ =	strace $0x80000047;
	s11 =	ssub.s32 $0x2, s6;
	s15 =	smul.u32 $0x27100, s6  }
0xb: {  	s6 =	sor.u32 $0x1C01, s30;
	s10 =	sadd.s32 s5, s8;
	s28 =	sadd.s32 s9, s8  }
0xc: {  	s13 =	sshrl.u32 s11, $0x1;
	s7 =	sshrl.u32 s7, $0x2;
	s8 =	sadd.s32 $0x2F000, s8  }
0xd: {  	s11 =	ssub.s32 s11, s13;
	s29 =	sadd.s32 s7, s3;
	s5 =	sadd.s32 $0x8000, s28  }
0xe: {  	s7 =	sadd.s32 $0x3000, s10;
	s31 =	sshrl.u32 s14, $0x3;
	s9 =	sadd.s32 s9, s15  }
0xf: {  	s13 =	simm.s32 $0x1;
	s14 =	simm.s32 $0x2800;
	s15 =	sshrl.u32 @!p0 s16, $0x3  }
0x10: {  	s16 =	simm.s32 $0x50;
	s10 =	sadd.s32 s12, s31;
	s9 =	sadd.s32 s12, s9  }
0x11: {  	s11 =	smax.u32 s11, $0x1;
	s12 =	sshrl.u32 s29, $0x3;
	s10 =	sadd.s32 $0x27000, s10  }
.LBB2_1:
0x12: {  	[spmem:s12], [sflag:s6] =	dma.local [hbm:s5], $0x2700  }
0x13: {  	_ =	swait.ge [sflag:s13], $0x2700  }
0x14: {  	[sflag:s13] =	ssyncset.done $0x0  }
0x15: {  	[sflag:s13] =	ssyncadd.s32 $0xFFFFD900  }
0x16: {  	[tilespmem:s4], [sflag:$0x1] =	stream.linear.gather [hbm4b:s7+s4], $0x2710, $0x38;
	[tilespmem:$0x7710] =	vst v63  }
0x17: {  	_ =	swait.ge [sflag:s13], $0x2710  }
0x18: {  	[sflag:s13] =	ssyncset.done $0x0  }
0x19: {  	[sflag:s13] =	ssyncadd.s32 $0xFFFFD8F0  }
0x1a: {  	[tilespmem:s14], [sflag:$0x1] =	stream.linear.gather [hbm4b:s2+s4], $0x2800, $0x38;
	[tilespmem:$0x7710] =	vst v63  }
0x1b: {  	_ =	swait.ge [sflag:s13], $0x2800  }
0x1c: {  	[sflag:s13] =	ssyncset.done $0x0  }
0x1d: {  	s19 =	simm.s32 @!p0 $0x1;
	[sflag:s13] =	ssyncadd.s32 $0xFFFFD800  }
0x1e: {  	[spmem:s15], [sflag:s6] =	dma.local @!p0 [hbm:s8], $0x100  }
0x1f: {  	_ =	swait.ge @!p0 [sflag:s19], $0x100  }
0x20: {  	[sflag:s19] =	ssyncset.done @!p0 $0x0  }
0x21: {  	[sflag:s19] =	ssyncadd.s32 @!p0 $0xFFFFFF00  }
0x22: {  	s31 =	simm.s32 $0x0;
	[bflag:$0x0] =	sbarrier.arrive $0xFFFF  }
0x23: {  	v0 =	vld [tilespmem:s31+$0x0];
	_ =	sdelay $0x4  }
0x24: {  	[tilespmem:$0x2780] =	vst v0  }
0x25: {  	v0 =	vld [tilespmem:s31+$0x10];
	_ =	sdelay $0x4  }
0x26: {  	[tilespmem:$0x2790] =	vst v0  }
0x27: {  	v0 =	vld [tilespmem:s31+$0x20];
	_ =	sdelay $0x4  }
0x28: {  	[tilespmem:$0x27A0] =	vst v0  }
0x29: {  	v0 =	vld [tilespmem:s31+$0x30];
	_ =	sdelay $0x4  }
0x2a: {  	[tilespmem:$0x27B0] =	vst v0  }
0x2b: {  	v0 =	vld [tilespmem:s31+$0x40];
	_ =	sdelay $0x4  }
0x2c: {  	[tilespmem:$0x27C0] =	vst v0  }
0x2d: {  	[spmem:s3] =	stream.indirect.scatter.add.f32 [tilespmem:s14], [sflag:$0x1], $0x10, s17, s16, $0xb8;
	[tilespmem:$0x7710] =	vst v63  }
0x2e: {  	_ =	swait.ge [sflag:s13], $0x500  }
0x2f: {  	s20 =	simm.s32 $0x280;
	s19 =	simm.s32 $0x140;
	[sflag:s13] =	ssyncset.done $0x0  }
.LBB2_2:
0x30: {  	s21 =	sshra.s32 s19, $0x2  }
0x31: {  	[sflag:s13] =	ssyncadd.s32 $0xFFFFFB00;
	s19 =	smov.u32 s20;
	s22 =	sadd.s32 $0x140, s20  }
0x32: {  	p1 =	sne.s32 s20, $0x9B00;
	v0 =	vld [tilespmem:s21+$0x0];
	_ =	sdelay $0x4  }
0x33: {  	[tilespmem:$0x2780] =	vst v0  }
0x34: {  	v0 =	vld [tilespmem:s21+$0x10];
	_ =	sdelay $0x4  }
0x35: {  	[tilespmem:$0x2790] =	vst v0  }
0x36: {  	v0 =	vld [tilespmem:s21+$0x20];
	_ =	sdelay $0x4  }
0x37: {  	[tilespmem:$0x27A0] =	vst v0  }
0x38: {  	v0 =	vld [tilespmem:s21+$0x30];
	_ =	sdelay $0x4  }
0x39: {  	[tilespmem:$0x27B0] =	vst v0  }
0x3a: {  	v0 =	vld [tilespmem:s21+$0x40];
	_ =	sdelay $0x3  }
.Ltmp0:
0x3b: {  	(pc) =	sbr.rel @p1 .LBB2_2-.Ltmp0, $4  }
0x3c: {  	[tilespmem:$0x27C0] =	vst v0  }
0x3d: {  	[spmem:s3] =	stream.indirect.scatter.add.f32 [tilespmem:s14], [sflag:$0x1], $0x10, s17, s16, $0xb8;
	[tilespmem:$0x7710] =	vst v63  }
0x3e: {  	_ =	swait.ge [sflag:s13], $0x500  }
0x3f: {  	s20 =	smov.u32 s22;
	[sflag:s13] =	ssyncset.done $0x0  }
0x40: {  	s19 =	sshra.s32 s19, $0x2;
	[sflag:s13] =	ssyncadd.s32 $0xFFFFFB00  }
0x41: {  	v0 =	vld [tilespmem:s19+$0x0];
	_ =	sdelay $0x4  }
0x42: {  	[tilespmem:$0x2780] =	vst v0  }
0x43: {  	v0 =	vld [tilespmem:s19+$0x10];
	_ =	sdelay $0x4  }
0x44: {  	[tilespmem:$0x2790] =	vst v0  }
0x45: {  	v0 =	vld [tilespmem:s19+$0x20];
	_ =	sdelay $0x4  }
0x46: {  	[tilespmem:$0x27A0] =	vst v0  }
0x47: {  	v0 =	vld [tilespmem:s19+$0x30];
	_ =	sdelay $0x4  }
0x48: {  	[tilespmem:$0x27B0] =	vst v0  }
0x49: {  	v0 =	vld [tilespmem:s19+$0x40];
	_ =	sdelay $0x4  }
0x4a: {  	[tilespmem:$0x27C0] =	vst v0  }
0x4b: {  	[spmem:s3] =	stream.indirect.scatter.add.f32 [tilespmem:s14], [sflag:$0x1], $0x10, s17, s16, $0xb8;
	[tilespmem:$0x7710] =	vst v63  }
0x4c: {  	_ =	swait.ge [sflag:s13], $0x500  }
0x4d: {  	[sflag:s13] =	ssyncset.done $0x0  }
0x4e: {  	[sflag:s13] =	ssyncadd.s32 $0xFFFFFB00  }
0x4f: {  	[bflag:$0x0] =	sbarrier.arrive $0xFFFF  }
0x50: {  	[hbm:s9], [sflag:s6] =	dma.local [spmem:s12], $0x2700  }
0x51: {  	s18 =	sadd.s32 $0x1, s18;
	_ =	swait.ge [sflag:s13], $0x2700  }
0x52: {  	p1 =	sne.s32 s18, s11;
	[sflag:s13] =	ssyncset.done $0x0  }
.Ltmp1:
0x53: {  	s19 =	simm.s32 @!p0 $0x1;
	[sflag:s13] =	ssyncadd.s32 $0xFFFFD900;
	(pc) =	sbr.rel @p1 .LBB2_1-.Ltmp1, $4  }
0x54: {  	[hbm:s10], [sflag:s6] =	dma.local @!p0 [spmem:s15], $0x100  }
0x55: {  	_ =	swait.ge @!p0 [sflag:s19], $0x100  }
0x56: {  	[sflag:s19] =	ssyncset.done @!p0 $0x0  }
0x57: {  	[sflag:s19] =	ssyncadd.s32 @!p0 $0xFFFFFF00  }
0x58: {  	_ =	sfence.sel $0x180000  }
0x59: {  	[bflag:$0x0] =	sbarrier.arrive $0xFFFF  }
0x5a: {  	p0 =	sne.s32 s1, $0x0;
	_ =	strace $0x90000047  }
0x5b: {  	s0 =	sadd.s32 @!p0 $0x100000, s0;
	[bflag:$0x2] =	sbarrier.arrive $0xFFFF  }
0x5c: {  	[sflag:s0] =	ssyncadd.tile.s32 @!p0 $0x1;
	_ =	shalt  }
.Lfunc_end2:
_tile_overlayer_lowered:
.L_overlay_start_2:
0x5d: {  	(tag) =	ssettag $0x2  }
0x5e: {  	s0 =	rddreg [dreg:$0x0];
	s2 =	stileid.u32  }
0x5f: {  	s1 =	rddreg [dreg:$0x1];
	p0 =	sne.s32 s2, $0x0  }
0x60: {  	s3 =	rddreg [dreg:$0x2];
	[bflag:$0x3] =	sbarrier.arrive $0xFFFF;
	s2 =	simm.s32 @!p0 $0x1C01  }
0x61: {  	[timem:s3], [sflag:s2] =	dma.local @!p0 [hbm:s0], s1  }
0x62: {  	s0 =	simm.s32 @!p0 $0x1  }
0x63: {  	_ =	swait.ge @!p0 [sflag:s0], s1  }
0x64: {  	s1 =	ssub.s32 @!p0 $0x0, s1;
	[sflag:s0] =	ssyncset.done @!p0 $0x0  }
0x65: {  	[sflag:s0] =	ssyncadd.s32 @!p0 s1  }
0x66: {  	[bflag:$0x3] =	sbarrier.arrive $0xFFFF  }
0x67: {  	_ =	shalt  }

</sc_bundles>
